<compile_context>
chip_gen: v7x
topology: tpu7x:2x2x1
jax: 0.10.2.dev20260603
libtpu: 0.0.44.dev20260713+nightly
codegen_flags: <defaults>
</compile_context>

<pallas_src>
import functools

import jax
import jax.numpy as jnp
from jax import lax
from jax.experimental import pallas as pl
from jax.experimental.pallas import tpu as pltpu
from jax.experimental.pallas import tpu_sc as plsc

B = 4096
L = 16
NC = 2
NS = 16
NW = NC * NS
CHUNKS = B // L

SC_ROWS = 1024
ROWS = SC_ROWS // NW

_mesh = plsc.VectorSubcoreMesh(core_axis_name="c", subcore_axis_name="s")


def _tc_hinge_body(pred_ref, rank_ref, out_ref):
    flatp = pred_ref[...].reshape(1, B)
    flatr = rank_ref[...].reshape(1, B)

    def body(c1, carry):
        s, n = carry
        prow = pred_ref[c1]
        rrow = rank_ref[c1]
        m = rrow[:, None] < flatr
        d = jnp.maximum(1.0 + prow[:, None] - flatp, 0.0)
        s = s + jnp.sum(jnp.where(m, d * d, 0.0))
        n = n + jnp.sum(jnp.where(m, 1.0, 0.0))
        return s, n

    s, n = lax.fori_loop(SC_ROWS // 128, B // 128, body,
                         (jnp.float32(0.0), jnp.float32(0.0)))
    out_ref[...] = jnp.stack([jnp.full((128,), s), jnp.full((128,), n)])


def _tc_hinge(pred2d, rank2d):
    return pl.pallas_call(
        _tc_hinge_body,
        out_shape=jax.ShapeDtypeStruct((2, 128), jnp.float32),
    )(pred2d, rank2d)


@functools.partial(
    pl.kernel,
    mesh=_mesh,
    out_type=[
        jax.ShapeDtypeStruct((NW, L), jnp.float32),
        jax.ShapeDtypeStruct((NW, L), jnp.float32),
    ],
    scratch_types=[
        pltpu.VMEM((B,), jnp.float32),
        pltpu.VMEM((B,), jnp.int32),
        pltpu.VMEM((L,), jnp.float32),
        pltpu.VMEM((L,), jnp.float32),
    ],
)
def _rank_loss_partials(pred_hbm, rank_hbm, sum_hbm, cnt_hbm,
                        pred_v, rank_v, sacc_v, cacc_v):
    wid = lax.axis_index("s") * NC + lax.axis_index("c")
    pltpu.sync_copy(pred_hbm, pred_v)
    pltpu.sync_copy(rank_hbm, rank_v)
    base = wid * ROWS
    K = 8
    zero = jnp.zeros((L,), jnp.float32)
    izero = jnp.zeros((L,), jnp.int32)

    def rowchunk_body(jc, carry):
        acc, cnt = carry
        pjv = pred_v[pl.ds(base + jc * L, L)]
        rjv = rank_v[pl.ds(base + jc * L, L)]
        for g in range(L // K):
            pjs = [jnp.full((L,), pjv[g * K + t]) for t in range(K)]
            rjs = [jnp.full((L,), rjv[g * K + t]) for t in range(K)]

            def chunk_body(c, carry2):
                accs, cnts = carry2
                pv = pred_v[pl.ds(c * L, L)]
                rv = rank_v[pl.ds(c * L, L)]
                t1 = 1.0 - pv
                accs = list(accs)
                cnts = list(cnts)
                for t in range(K):
                    m = rv > rjs[t]
                    d = jnp.maximum(t1 + pjs[t], 0.0)
                    accs[t] = jnp.where(m, accs[t] + d * d, accs[t])
                    cnts[t] = jnp.where(m, cnts[t] + 1, cnts[t])
                return tuple(accs), tuple(cnts)

            accs, cnts = lax.fori_loop(
                0, CHUNKS, chunk_body,
                ((zero,) * K, (izero,) * K))
            for t in range(K):
                acc = acc + accs[t]
                cnt = cnt + cnts[t].astype(jnp.float32)
        return acc, cnt

    acc, cnt = lax.fori_loop(0, ROWS // L, rowchunk_body, (zero, zero))
    sacc_v[...] = acc
    cacc_v[...] = cnt
    pltpu.sync_copy(sacc_v, sum_hbm.at[wid])
    pltpu.sync_copy(cacc_v, cnt_hbm.at[wid])


def kernel(pred, rank_batch):
    rank_i32 = rank_batch.astype(jnp.int32)
    sums, cnts = _rank_loss_partials(pred, rank_i32)
    sn = _tc_hinge(pred.reshape(32, 128), rank_i32.reshape(32, 128))
    return (jnp.sum(sums) + sn[0, 0]) / (jnp.sum(cnts) + sn[1, 0])

# --- scband reference (transcript-rebuilt; emitter-appended) ---
"""Pipeline reference for scband-rank-loss-80908593922473 (READ-ONLY COPY).

The authoritative reference and input builder live on the scoring server;
editing this copy changes nothing except your own understanding.
"""

import jax, jax.numpy as jnp
import numpy as np


def setup_inputs(seed: int = 0) -> dict:
    key = jax.random.key(seed)
    k1, k2 = jax.random.split(key)
    pred = jax.random.normal(k1, (4096,), dtype=jnp.float32)
    rank_batch = jax.random.randint(k2, (4096,), 0, 4096)
    return {"pred": pred, "rank_batch": rank_batch}


def _comparable_pairs(rank_batch):
    # rank_batch is 1-D -> truth_rank = rank_batch, no batch_index
    truth_rank = rank_batch
    batch_size = truth_rank.shape[0]
    indx = jnp.arange(batch_size)
    pairs1 = jnp.tile(indx, batch_size)            # indx.repeat(batch_size)
    pairs2 = jnp.repeat(indx, batch_size)          # indx.repeat_interleave(batch_size)
    time_mask = truth_rank[pairs1] < truth_rank[pairs2]
    return pairs1, pairs2, time_mask


def reference(pred, rank_batch):
    # classification is None -> pred_rank = pred
    pred_rank = pred
    low, high, time_mask = _comparable_pairs(rank_batch)
    low_pred = pred_rank[low]
    high_pred = pred_rank[high]
    diff = jnp.maximum(1.0 - high_pred + low_pred, 0.0)
    diff = diff ** 2
    masked_diff = jnp.where(time_mask, diff, 0.0)
    count = jnp.sum(time_mask).astype(diff.dtype)
    rank_loss = jnp.sum(masked_diff) / count  # reduction='mean'
    return rank_loss

if __name__ == "__main__":
    import jax
    _d = setup_inputs()
    print(jax.jit(kernel)(*tuple(_d.values())))

</pallas_src>

<mosaic_0001>
#map = affine_map<(d0, d1) -> (0)>
#map1 = affine_map<(d0, d1) -> (0, 0)>
module attributes {stable_mosaic.version = 14 : i64} {
  func.func @_rank_loss_partials(%arg0: i32, %arg1: i32, %arg2: memref<4096xf32, #tpu.memory_space<hbm>>, %arg3: memref<4096xi32, #tpu.memory_space<hbm>>, %arg4: memref<32x16xf32, #tpu.memory_space<hbm>>, %arg5: memref<32x16xf32, #tpu.memory_space<hbm>>, %arg6: memref<4096xf32, #tpu.memory_space<vmem>>, %arg7: memref<4096xi32, #tpu.memory_space<vmem>>, %arg8: memref<16xf32, #tpu.memory_space<vmem>>, %arg9: memref<16xf32, #tpu.memory_space<vmem>>) attributes {dimension_semantics = [#tpu.dimension_semantics<core_parallel>, #tpu.dimension_semantics<subcore_parallel>], iteration_bounds = array<i64: 2, 16>, scalar_prefetch = 0 : i64, scratch_operands = 4 : i64, tpu.core_type = #tpu.core_type<sc_vector_subcore>, window_params = [{transform_indices = #map}, {transform_indices = #map}, {transform_indices = #map1}, {transform_indices = #map1}]} {
    %mul3A = arith.constant 2 : i32
    %mul3A_0 = arith.muli %arg1, %mul3A : i32
    %add3A = arith.addi %mul3A_0, %arg0 : i32
    "tpu.region"() ({
      %run_scoped3A = tpu.sem_alloc : memref<!tpu.dma_semaphore, #tpu.memory_space<semaphore_mem>>
      tpu.enqueue_dma source(%arg2 : memref<4096xf32, #tpu.memory_space<hbm>>) target(%arg6 : memref<4096xf32, #tpu.memory_space<vmem>>) target_semaphore(%run_scoped3A : memref<!tpu.dma_semaphore, #tpu.memory_space<semaphore_mem>>)
      tpu.wait_dma2 semaphore(%run_scoped3A : memref<!tpu.dma_semaphore, #tpu.memory_space<semaphore_mem>>) src(%arg2 : memref<4096xf32, #tpu.memory_space<hbm>>) dst(%arg6 : memref<4096xf32, #tpu.memory_space<vmem>>)
      tpu.yield
    }) : () -> ()
    "tpu.region"() ({
      %run_scoped3A = tpu.sem_alloc : memref<!tpu.dma_semaphore, #tpu.memory_space<semaphore_mem>>
      tpu.enqueue_dma source(%arg3 : memref<4096xi32, #tpu.memory_space<hbm>>) target(%arg7 : memref<4096xi32, #tpu.memory_space<vmem>>) target_semaphore(%run_scoped3A : memref<!tpu.dma_semaphore, #tpu.memory_space<semaphore_mem>>)
      tpu.wait_dma2 semaphore(%run_scoped3A : memref<!tpu.dma_semaphore, #tpu.memory_space<semaphore_mem>>) src(%arg3 : memref<4096xi32, #tpu.memory_space<hbm>>) dst(%arg7 : memref<4096xi32, #tpu.memory_space<vmem>>)
      tpu.yield
    }) : () -> ()
    %mul3A_1 = arith.constant 32 : i32
    %mul3A_2 = arith.muli %add3A, %mul3A_1 : i32
    %broadcast_in_dim3A = arith.constant 0.000000e+00 : f32
    %broadcast_in_dim3A_3 = vector.broadcast %broadcast_in_dim3A : f32 to vector<16xf32>
    %broadcast_in_dim3A_4 = arith.constant 0 : i32
    %broadcast_in_dim3A_5 = vector.broadcast %broadcast_in_dim3A_4 : i32 to vector<16xi32>
    %scan3A = arith.constant 0 : i32
    %scan3A_6 = arith.constant 2 : i32
    %scan3A_7 = arith.addi %scan3A, %scan3A_6 : i32
    %scan3A_8 = arith.constant 1 : i32
    %scan3A_9:2 = scf.for %scan3A_18 = %scan3A to %scan3A_7 step %scan3A_8 iter_args(%scan3A_19 = %broadcast_in_dim3A_3, %scan3A_20 = %broadcast_in_dim3A_3) -> (vector<16xf32>, vector<16xf32>)  : i32 {
      %mul3A_21 = arith.constant 16 : i32
      %mul3A_22 = arith.muli %scan3A_18, %mul3A_21 : i32
      %add3A_23 = arith.addi %mul3A_2, %mul3A_22 : i32
      %get3A = arith.index_cast %add3A_23 : i32 to index
      %get3A_24 = tpu.vector_load %arg6[%get3A] {strides = array<i32>} : memref<4096xf32, #tpu.memory_space<vmem>>, vector<16xf32>,
      %get3A_25 = vector.shape_cast %get3A_24 : vector<16xf32> to vector<16xf32>
      %mul3A_26 = arith.constant 16 : i32
      %mul3A_27 = arith.muli %scan3A_18, %mul3A_26 : i32
      %add3A_28 = arith.addi %mul3A_2, %mul3A_27 : i32
      %get3A_29 = arith.index_cast %add3A_28 : i32 to index
      %get3A_30 = tpu.vector_load %arg7[%get3A_29] {strides = array<i32>} : memref<4096xi32, #tpu.memory_space<vmem>>, vector<16xi32>,
      %get3A_31 = vector.shape_cast %get3A_30 : vector<16xi32> to vector<16xi32>
      %slice3A = vector.extract_strided_slice %get3A_25 {offsets = [0], sizes = [1], strides = [1]} : vector<16xf32> to vector<1xf32>
      %squeeze3A = vector.extract %slice3A[0] : f32 from vector<1xf32>
      %broadcast_in_dim3A_32 = vector.broadcast %squeeze3A : f32 to vector<16xf32>
      %slice3A_33 = vector.extract_strided_slice %get3A_25 {offsets = [1], sizes = [1], strides = [1]} : vector<16xf32> to vector<1xf32>
      %squeeze3A_34 = vector.extract %slice3A_33[0] : f32 from vector<1xf32>
      %broadcast_in_dim3A_35 = vector.broadcast %squeeze3A_34 : f32 to vector<16xf32>
      %slice3A_36 = vector.extract_strided_slice %get3A_25 {offsets = [2], sizes = [1], strides = [1]} : vector<16xf32> to vector<1xf32>
      %squeeze3A_37 = vector.extract %slice3A_36[0] : f32 from vector<1xf32>
      %broadcast_in_dim3A_38 = vector.broadcast %squeeze3A_37 : f32 to vector<16xf32>
      %slice3A_39 = vector.extract_strided_slice %get3A_25 {offsets = [3], sizes = [1], strides = [1]} : vector<16xf32> to vector<1xf32>
      %squeeze3A_40 = vector.extract %slice3A_39[0] : f32 from vector<1xf32>
      %broadcast_in_dim3A_41 = vector.broadcast %squeeze3A_40 : f32 to vector<16xf32>
      %slice3A_42 = vector.extract_strided_slice %get3A_25 {offsets = [4], sizes = [1], strides = [1]} : vector<16xf32> to vector<1xf32>
      %squeeze3A_43 = vector.extract %slice3A_42[0] : f32 from vector<1xf32>
      %broadcast_in_dim3A_44 = vector.broadcast %squeeze3A_43 : f32 to vector<16xf32>
      %slice3A_45 = vector.extract_strided_slice %get3A_25 {offsets = [5], sizes = [1], strides = [1]} : vector<16xf32> to vector<1xf32>
      %squeeze3A_46 = vector.extract %slice3A_45[0] : f32 from vector<1xf32>
      %broadcast_in_dim3A_47 = vector.broadcast %squeeze3A_46 : f32 to vector<16xf32>
      %slice3A_48 = vector.extract_strided_slice %get3A_25 {offsets = [6], sizes = [1], strides = [1]} : vector<16xf32> to vector<1xf32>
      %squeeze3A_49 = vector.extract %slice3A_48[0] : f32 from vector<1xf32>
      %broadcast_in_dim3A_50 = vector.broadcast %squeeze3A_49 : f32 to vector<16xf32>
      %slice3A_51 = vector.extract_strided_slice %get3A_25 {offsets = [7], sizes = [1], strides = [1]} : vector<16xf32> to vector<1xf32>
      %squeeze3A_52 = vector.extract %slice3A_51[0] : f32 from vector<1xf32>
      %broadcast_in_dim3A_53 = vector.broadcast %squeeze3A_52 : f32 to vector<16xf32>
      %slice3A_54 = vector.extract_strided_slice %get3A_31 {offsets = [0], sizes = [1], strides = [1]} : vector<16xi32> to vector<1xi32>
      %squeeze3A_55 = vector.extract %slice3A_54[0] : i32 from vector<1xi32>
      %broadcast_in_dim3A_56 = vector.broadcast %squeeze3A_55 : i32 to vector<16xi32>
      %slice3A_57 = vector.extract_strided_slice %get3A_31 {offsets = [1], sizes = [1], strides = [1]} : vector<16xi32> to vector<1xi32>
      %squeeze3A_58 = vector.extract %slice3A_57[0] : i32 from vector<1xi32>
      %broadcast_in_dim3A_59 = vector.broadcast %squeeze3A_58 : i32 to vector<16xi32>
      %slice3A_60 = vector.extract_strided_slice %get3A_31 {offsets = [2], sizes = [1], strides = [1]} : vector<16xi32> to vector<1xi32>
      %squeeze3A_61 = vector.extract %slice3A_60[0] : i32 from vector<1xi32>
      %broadcast_in_dim3A_62 = vector.broadcast %squeeze3A_61 : i32 to vector<16xi32>
      %slice3A_63 = vector.extract_strided_slice %get3A_31 {offsets = [3], sizes = [1], strides = [1]} : vector<16xi32> to vector<1xi32>
      %squeeze3A_64 = vector.extract %slice3A_63[0] : i32 from vector<1xi32>
      %broadcast_in_dim3A_65 = vector.broadcast %squeeze3A_64 : i32 to vector<16xi32>
      %slice3A_66 = vector.extract_strided_slice %get3A_31 {offsets = [4], sizes = [1], strides = [1]} : vector<16xi32> to vector<1xi32>
      %squeeze3A_67 = vector.extract %slice3A_66[0] : i32 from vector<1xi32>
      %broadcast_in_dim3A_68 = vector.broadcast %squeeze3A_67 : i32 to vector<16xi32>
      %slice3A_69 = vector.extract_strided_slice %get3A_31 {offsets = [5], sizes = [1], strides = [1]} : vector<16xi32> to vector<1xi32>
      %squeeze3A_70 = vector.extract %slice3A_69[0] : i32 from vector<1xi32>
      %broadcast_in_dim3A_71 = vector.broadcast %squeeze3A_70 : i32 to vector<16xi32>
      %slice3A_72 = vector.extract_strided_slice %get3A_31 {offsets = [6], sizes = [1], strides = [1]} : vector<16xi32> to vector<1xi32>
      %squeeze3A_73 = vector.extract %slice3A_72[0] : i32 from vector<1xi32>
      %broadcast_in_dim3A_74 = vector.broadcast %squeeze3A_73 : i32 to vector<16xi32>
      %slice3A_75 = vector.extract_strided_slice %get3A_31 {offsets = [7], sizes = [1], strides = [1]} : vector<16xi32> to vector<1xi32>
      %squeeze3A_76 = vector.extract %slice3A_75[0] : i32 from vector<1xi32>
      %broadcast_in_dim3A_77 = vector.broadcast %squeeze3A_76 : i32 to vector<16xi32>
      %scan3A_78 = arith.constant 0 : i32
      %scan3A_79 = arith.constant 256 : i32
      %scan3A_80 = arith.addi %scan3A_78, %scan3A_79 : i32
      %scan3A_81 = arith.constant 1 : i32
      %scan3A_82:16 = scf.for %scan3A_185 = %scan3A_78 to %scan3A_80 step %scan3A_81 iter_args(%scan3A_186 = %broadcast_in_dim3A_3, %scan3A_187 = %broadcast_in_dim3A_3, %scan3A_188 = %broadcast_in_dim3A_3, %scan3A_189 = %broadcast_in_dim3A_3, %scan3A_190 = %broadcast_in_dim3A_3, %scan3A_191 = %broadcast_in_dim3A_3, %scan3A_192 = %broadcast_in_dim3A_3, %scan3A_193 = %broadcast_in_dim3A_3, %scan3A_194 = %broadcast_in_dim3A_5, %scan3A_195 = %broadcast_in_dim3A_5, %scan3A_196 = %broadcast_in_dim3A_5, %scan3A_197 = %broadcast_in_dim3A_5, %scan3A_198 = %broadcast_in_dim3A_5, %scan3A_199 = %broadcast_in_dim3A_5, %scan3A_200 = %broadcast_in_dim3A_5, %scan3A_201 = %broadcast_in_dim3A_5) -> (vector<16xf32>, vector<16xf32>, vector<16xf32>, vector<16xf32>, vector<16xf32>, vector<16xf32>, vector<16xf32>, vector<16xf32>, vector<16xi32>, vector<16xi32>, vector<16xi32>, vector<16xi32>, vector<16xi32>, vector<16xi32>, vector<16xi32>, vector<16xi32>)  : i32 {
        %mul3A_202 = arith.constant 16 : i32
        %mul3A_203 = arith.muli %scan3A_185, %mul3A_202 : i32
        %get3A_204 = arith.index_cast %mul3A_203 : i32 to index
        %get3A_205 = tpu.vector_load %arg6[%get3A_204] {strides = array<i32>} : memref<4096xf32, #tpu.memory_space<vmem>>, vector<16xf32>,
        %get3A_206 = vector.shape_cast %get3A_205 : vector<16xf32> to vector<16xf32>
        %mul3A_207 = arith.constant 16 : i32
        %mul3A_208 = arith.muli %scan3A_185, %mul3A_207 : i32
        %get3A_209 = arith.index_cast %mul3A_208 : i32 to index
        %get3A_210 = tpu.vector_load %arg7[%get3A_209] {strides = array<i32>} : memref<4096xi32, #tpu.memory_space<vmem>>, vector<16xi32>,
        %get3A_211 = vector.shape_cast %get3A_210 : vector<16xi32> to vector<16xi32>
        %sub3A = arith.constant 1.000000e+00 : f32
        %sub3A_212 = vector.broadcast %sub3A : f32 to vector<16xf32>
        %sub3A_213 = arith.subf %sub3A_212, %get3A_206 : vector<16xf32>
        %gt3A = arith.cmpi sgt, %get3A_211, %broadcast_in_dim3A_56 : vector<16xi32>
        %add3A_214 = arith.addf %sub3A_213, %broadcast_in_dim3A_32 : vector<16xf32>
        %max3A = arith.constant 0.000000e+00 : f32
        %max3A_215 = vector.broadcast %max3A : f32 to vector<16xf32>
        %max3A_216 = arith.maximumf %add3A_214, %max3A_215 : vector<16xf32>
        %mul3A_217 = arith.mulf %max3A_216, %max3A_216 : vector<16xf32>
        %add3A_218 = arith.addf %scan3A_186, %mul3A_217 : vector<16xf32>
        %select_n3A = arith.select %gt3A, %add3A_218, %scan3A_186 : vector<16xi1>, vector<16xf32>
        %add3A_219 = arith.constant 1 : i32
        %add3A_220 = vector.broadcast %add3A_219 : i32 to vector<16xi32>
        %add3A_221 = arith.addi %scan3A_194, %add3A_220 : vector<16xi32>
        %select_n3A_222 = arith.select %gt3A, %add3A_221, %scan3A_194 : vector<16xi1>, vector<16xi32>
        %gt3A_223 = arith.cmpi sgt, %get3A_211, %broadcast_in_dim3A_59 : vector<16xi32>
        %add3A_224 = arith.addf %sub3A_213, %broadcast_in_dim3A_35 : vector<16xf32>
        %max3A_225 = arith.constant 0.000000e+00 : f32
        %max3A_226 = vector.broadcast %max3A_225 : f32 to vector<16xf32>
        %max3A_227 = arith.maximumf %add3A_224, %max3A_226 : vector<16xf32>
        %mul3A_228 = arith.mulf %max3A_227, %max3A_227 : vector<16xf32>
        %add3A_229 = arith.addf %scan3A_187, %mul3A_228 : vector<16xf32>
        %select_n3A_230 = arith.select %gt3A_223, %add3A_229, %scan3A_187 : vector<16xi1>, vector<16xf32>
        %add3A_231 = arith.constant 1 : i32
        %add3A_232 = vector.broadcast %add3A_231 : i32 to vector<16xi32>
        %add3A_233 = arith.addi %scan3A_195, %add3A_232 : vector<16xi32>
        %select_n3A_234 = arith.select %gt3A_223, %add3A_233, %scan3A_195 : vector<16xi1>, vector<16xi32>
        %gt3A_235 = arith.cmpi sgt, %get3A_211, %broadcast_in_dim3A_62 : vector<16xi32>
        %add3A_236 = arith.addf %sub3A_213, %broadcast_in_dim3A_38 : vector<16xf32>
        %max3A_237 = arith.constant 0.000000e+00 : f32
        %max3A_238 = vector.broadcast %max3A_237 : f32 to vector<16xf32>
        %max3A_239 = arith.maximumf %add3A_236, %max3A_238 : vector<16xf32>
        %mul3A_240 = arith.mulf %max3A_239, %max3A_239 : vector<16xf32>
        %add3A_241 = arith.addf %scan3A_188, %mul3A_240 : vector<16xf32>
        %select_n3A_242 = arith.select %gt3A_235, %add3A_241, %scan3A_188 : vector<16xi1>, vector<16xf32>
        %add3A_243 = arith.constant 1 : i32
        %add3A_244 = vector.broadcast %add3A_243 : i32 to vector<16xi32>
        %add3A_245 = arith.addi %scan3A_196, %add3A_244 : vector<16xi32>
        %select_n3A_246 = arith.select %gt3A_235, %add3A_245, %scan3A_196 : vector<16xi1>, vector<16xi32>
        %gt3A_247 = arith.cmpi sgt, %get3A_211, %broadcast_in_dim3A_65 : vector<16xi32>
        %add3A_248 = arith.addf %sub3A_213, %broadcast_in_dim3A_41 : vector<16xf32>
        %max3A_249 = arith.constant 0.000000e+00 : f32
        %max3A_250 = vector.broadcast %max3A_249 : f32 to vector<16xf32>
        %max3A_251 = arith.maximumf %add3A_248, %max3A_250 : vector<16xf32>
        %mul3A_252 = arith.mulf %max3A_251, %max3A_251 : vector<16xf32>
        %add3A_253 = arith.addf %scan3A_189, %mul3A_252 : vector<16xf32>
        %select_n3A_254 = arith.select %gt3A_247, %add3A_253, %scan3A_189 : vector<16xi1>, vector<16xf32>
        %add3A_255 = arith.constant 1 : i32
        %add3A_256 = vector.broadcast %add3A_255 : i32 to vector<16xi32>
        %add3A_257 = arith.addi %scan3A_197, %add3A_256 : vector<16xi32>
        %select_n3A_258 = arith.select %gt3A_247, %add3A_257, %scan3A_197 : vector<16xi1>, vector<16xi32>
        %gt3A_259 = arith.cmpi sgt, %get3A_211, %broadcast_in_dim3A_68 : vector<16xi32>
        %add3A_260 = arith.addf %sub3A_213, %broadcast_in_dim3A_44 : vector<16xf32>
        %max3A_261 = arith.constant 0.000000e+00 : f32
        %max3A_262 = vector.broadcast %max3A_261 : f32 to vector<16xf32>
        %max3A_263 = arith.maximumf %add3A_260, %max3A_262 : vector<16xf32>
        %mul3A_264 = arith.mulf %max3A_263, %max3A_263 : vector<16xf32>
        %add3A_265 = arith.addf %scan3A_190, %mul3A_264 : vector<16xf32>
        %select_n3A_266 = arith.select %gt3A_259, %add3A_265, %scan3A_190 : vector<16xi1>, vector<16xf32>
        %add3A_267 = arith.constant 1 : i32
        %add3A_268 = vector.broadcast %add3A_267 : i32 to vector<16xi32>
        %add3A_269 = arith.addi %scan3A_198, %add3A_268 : vector<16xi32>
        %select_n3A_270 = arith.select %gt3A_259, %add3A_269, %scan3A_198 : vector<16xi1>, vector<16xi32>
        %gt3A_271 = arith.cmpi sgt, %get3A_211, %broadcast_in_dim3A_71 : vector<16xi32>
        %add3A_272 = arith.addf %sub3A_213, %broadcast_in_dim3A_47 : vector<16xf32>
        %max3A_273 = arith.constant 0.000000e+00 : f32
        %max3A_274 = vector.broadcast %max3A_273 : f32 to vector<16xf32>
        %max3A_275 = arith.maximumf %add3A_272, %max3A_274 : vector<16xf32>
        %mul3A_276 = arith.mulf %max3A_275, %max3A_275 : vector<16xf32>
        %add3A_277 = arith.addf %scan3A_191, %mul3A_276 : vector<16xf32>
        %select_n3A_278 = arith.select %gt3A_271, %add3A_277, %scan3A_191 : vector<16xi1>, vector<16xf32>
        %add3A_279 = arith.constant 1 : i32
        %add3A_280 = vector.broadcast %add3A_279 : i32 to vector<16xi32>
        %add3A_281 = arith.addi %scan3A_199, %add3A_280 : vector<16xi32>
        %select_n3A_282 = arith.select %gt3A_271, %add3A_281, %scan3A_199 : vector<16xi1>, vector<16xi32>
        %gt3A_283 = arith.cmpi sgt, %get3A_211, %broadcast_in_dim3A_74 : vector<16xi32>
        %add3A_284 = arith.addf %sub3A_213, %broadcast_in_dim3A_50 : vector<16xf32>
        %max3A_285 = arith.constant 0.000000e+00 : f32
        %max3A_286 = vector.broadcast %max3A_285 : f32 to vector<16xf32>
        %max3A_287 = arith.maximumf %add3A_284, %max3A_286 : vector<16xf32>
        %mul3A_288 = arith.mulf %max3A_287, %max3A_287 : vector<16xf32>
        %add3A_289 = arith.addf %scan3A_192, %mul3A_288 : vector<16xf32>
        %select_n3A_290 = arith.select %gt3A_283, %add3A_289, %scan3A_192 : vector<16xi1>, vector<16xf32>
        %add3A_291 = arith.constant 1 : i32
        %add3A_292 = vector.broadcast %add3A_291 : i32 to vector<16xi32>
        %add3A_293 = arith.addi %scan3A_200, %add3A_292 : vector<16xi32>
        %select_n3A_294 = arith.select %gt3A_283, %add3A_293, %scan3A_200 : vector<16xi1>, vector<16xi32>
        %gt3A_295 = arith.cmpi sgt, %get3A_211, %broadcast_in_dim3A_77 : vector<16xi32>
        %add3A_296 = arith.addf %sub3A_213, %broadcast_in_dim3A_53 : vector<16xf32>
        %max3A_297 = arith.constant 0.000000e+00 : f32
        %max3A_298 = vector.broadcast %max3A_297 : f32 to vector<16xf32>
        %max3A_299 = arith.maximumf %add3A_296, %max3A_298 : vector<16xf32>
        %mul3A_300 = arith.mulf %max3A_299, %max3A_299 : vector<16xf32>
        %add3A_301 = arith.addf %scan3A_193, %mul3A_300 : vector<16xf32>
        %select_n3A_302 = arith.select %gt3A_295, %add3A_301, %scan3A_193 : vector<16xi1>, vector<16xf32>
        %add3A_303 = arith.constant 1 : i32
        %add3A_304 = vector.broadcast %add3A_303 : i32 to vector<16xi32>
        %add3A_305 = arith.addi %scan3A_201, %add3A_304 : vector<16xi32>
        %select_n3A_306 = arith.select %gt3A_295, %add3A_305, %scan3A_201 : vector<16xi1>, vector<16xi32>
        scf.yield %select_n3A, %select_n3A_230, %select_n3A_242, %select_n3A_254, %select_n3A_266, %select_n3A_278, %select_n3A_290, %select_n3A_302, %select_n3A_222, %select_n3A_234, %select_n3A_246, %select_n3A_258, %select_n3A_270, %select_n3A_282, %select_n3A_294, %select_n3A_306 : vector<16xf32>, vector<16xf32>, vector<16xf32>, vector<16xf32>, vector<16xf32>, vector<16xf32>, vector<16xf32>, vector<16xf32>, vector<16xi32>, vector<16xi32>, vector<16xi32>, vector<16xi32>, vector<16xi32>, vector<16xi32>, vector<16xi32>, vector<16xi32>
      }
      %scan3A_83 = arith.constant 256 : i32
      %add3A_84 = arith.addf %scan3A_19, %scan3A_82#0 : vector<16xf32>
      %convert_element_type3A = arith.sitofp %scan3A_82#8 : vector<16xi32> to vector<16xf32>
      %add3A_85 = arith.addf %scan3A_20, %convert_element_type3A : vector<16xf32>
      %add3A_86 = arith.addf %add3A_84, %scan3A_82#1 : vector<16xf32>
      %convert_element_type3A_87 = arith.sitofp %scan3A_82#9 : vector<16xi32> to vector<16xf32>
      %add3A_88 = arith.addf %add3A_85, %convert_element_type3A_87 : vector<16xf32>
      %add3A_89 = arith.addf %add3A_86, %scan3A_82#2 : vector<16xf32>
      %convert_element_type3A_90 = arith.sitofp %scan3A_82#10 : vector<16xi32> to vector<16xf32>
      %add3A_91 = arith.addf %add3A_88, %convert_element_type3A_90 : vector<16xf32>
      %add3A_92 = arith.addf %add3A_89, %scan3A_82#3 : vector<16xf32>
      %convert_element_type3A_93 = arith.sitofp %scan3A_82#11 : vector<16xi32> to vector<16xf32>
      %add3A_94 = arith.addf %add3A_91, %convert_element_type3A_93 : vector<16xf32>
      %add3A_95 = arith.addf %add3A_92, %scan3A_82#4 : vector<16xf32>
      %convert_element_type3A_96 = arith.sitofp %scan3A_82#12 : vector<16xi32> to vector<16xf32>
      %add3A_97 = arith.addf %add3A_94, %convert_element_type3A_96 : vector<16xf32>
      %add3A_98 = arith.addf %add3A_95, %scan3A_82#5 : vector<16xf32>
      %convert_element_type3A_99 = arith.sitofp %scan3A_82#13 : vector<16xi32> to vector<16xf32>
      %add3A_100 = arith.addf %add3A_97, %convert_element_type3A_99 : vector<16xf32>
      %add3A_101 = arith.addf %add3A_98, %scan3A_82#6 : vector<16xf32>
      %convert_element_type3A_102 = arith.sitofp %scan3A_82#14 : vector<16xi32> to vector<16xf32>
      %add3A_103 = arith.addf %add3A_100, %convert_element_type3A_102 : vector<16xf32>
      %add3A_104 = arith.addf %add3A_101, %scan3A_82#7 : vector<16xf32>
      %convert_element_type3A_105 = arith.sitofp %scan3A_82#15 : vector<16xi32> to vector<16xf32>
      %add3A_106 = arith.addf %add3A_103, %convert_element_type3A_105 : vector<16xf32>
      %slice3A_107 = vector.extract_strided_slice %get3A_25 {offsets = [8], sizes = [1], strides = [1]} : vector<16xf32> to vector<1xf32>
      %squeeze3A_108 = vector.extract %slice3A_107[0] : f32 from vector<1xf32>
      %broadcast_in_dim3A_109 = vector.broadcast %squeeze3A_108 : f32 to vector<16xf32>
      %slice3A_110 = vector.extract_strided_slice %get3A_25 {offsets = [9], sizes = [1], strides = [1]} : vector<16xf32> to vector<1xf32>
      %squeeze3A_111 = vector.extract %slice3A_110[0] : f32 from vector<1xf32>
      %broadcast_in_dim3A_112 = vector.broadcast %squeeze3A_111 : f32 to vector<16xf32>
      %slice3A_113 = vector.extract_strided_slice %get3A_25 {offsets = [10], sizes = [1], strides = [1]} : vector<16xf32> to vector<1xf32>
      %squeeze3A_114 = vector.extract %slice3A_113[0] : f32 from vector<1xf32>
      %broadcast_in_dim3A_115 = vector.broadcast %squeeze3A_114 : f32 to vector<16xf32>
      %slice3A_116 = vector.extract_strided_slice %get3A_25 {offsets = [11], sizes = [1], strides = [1]} : vector<16xf32> to vector<1xf32>
      %squeeze3A_117 = vector.extract %slice3A_116[0] : f32 from vector<1xf32>
      %broadcast_in_dim3A_118 = vector.broadcast %squeeze3A_117 : f32 to vector<16xf32>
      %slice3A_119 = vector.extract_strided_slice %get3A_25 {offsets = [12], sizes = [1], strides = [1]} : vector<16xf32> to vector<1xf32>
      %squeeze3A_120 = vector.extract %slice3A_119[0] : f32 from vector<1xf32>
      %broadcast_in_dim3A_121 = vector.broadcast %squeeze3A_120 : f32 to vector<16xf32>
      %slice3A_122 = vector.extract_strided_slice %get3A_25 {offsets = [13], sizes = [1], strides = [1]} : vector<16xf32> to vector<1xf32>
      %squeeze3A_123 = vector.extract %slice3A_122[0] : f32 from vector<1xf32>
      %broadcast_in_dim3A_124 = vector.broadcast %squeeze3A_123 : f32 to vector<16xf32>
      %slice3A_125 = vector.extract_strided_slice %get3A_25 {offsets = [14], sizes = [1], strides = [1]} : vector<16xf32> to vector<1xf32>
      %squeeze3A_126 = vector.extract %slice3A_125[0] : f32 from vector<1xf32>
      %broadcast_in_dim3A_127 = vector.broadcast %squeeze3A_126 : f32 to vector<16xf32>
      %slice3A_128 = vector.extract_strided_slice %get3A_25 {offsets = [15], sizes = [1], strides = [1]} : vector<16xf32> to vector<1xf32>
      %squeeze3A_129 = vector.extract %slice3A_128[0] : f32 from vector<1xf32>
      %broadcast_in_dim3A_130 = vector.broadcast %squeeze3A_129 : f32 to vector<16xf32>
      %slice3A_131 = vector.extract_strided_slice %get3A_31 {offsets = [8], sizes = [1], strides = [1]} : vector<16xi32> to vector<1xi32>
      %squeeze3A_132 = vector.extract %slice3A_131[0] : i32 from vector<1xi32>
      %broadcast_in_dim3A_133 = vector.broadcast %squeeze3A_132 : i32 to vector<16xi32>
      %slice3A_134 = vector.extract_strided_slice %get3A_31 {offsets = [9], sizes = [1], strides = [1]} : vector<16xi32> to vector<1xi32>
      %squeeze3A_135 = vector.extract %slice3A_134[0] : i32 from vector<1xi32>
      %broadcast_in_dim3A_136 = vector.broadcast %squeeze3A_135 : i32 to vector<16xi32>
      %slice3A_137 = vector.extract_strided_slice %get3A_31 {offsets = [10], sizes = [1], strides = [1]} : vector<16xi32> to vector<1xi32>
      %squeeze3A_138 = vector.extract %slice3A_137[0] : i32 from vector<1xi32>
      %broadcast_in_dim3A_139 = vector.broadcast %squeeze3A_138 : i32 to vector<16xi32>
      %slice3A_140 = vector.extract_strided_slice %get3A_31 {offsets = [11], sizes = [1], strides = [1]} : vector<16xi32> to vector<1xi32>
      %squeeze3A_141 = vector.extract %slice3A_140[0] : i32 from vector<1xi32>
      %broadcast_in_dim3A_142 = vector.broadcast %squeeze3A_141 : i32 to vector<16xi32>
      %slice3A_143 = vector.extract_strided_slice %get3A_31 {offsets = [12], sizes = [1], strides = [1]} : vector<16xi32> to vector<1xi32>
      %squeeze3A_144 = vector.extract %slice3A_143[0] : i32 from vector<1xi32>
      %broadcast_in_dim3A_145 = vector.broadcast %squeeze3A_144 : i32 to vector<16xi32>
      %slice3A_146 = vector.extract_strided_slice %get3A_31 {offsets = [13], sizes = [1], strides = [1]} : vector<16xi32> to vector<1xi32>
      %squeeze3A_147 = vector.extract %slice3A_146[0] : i32 from vector<1xi32>
      %broadcast_in_dim3A_148 = vector.broadcast %squeeze3A_147 : i32 to vector<16xi32>
      %slice3A_149 = vector.extract_strided_slice %get3A_31 {offsets = [14], sizes = [1], strides = [1]} : vector<16xi32> to vector<1xi32>
      %squeeze3A_150 = vector.extract %slice3A_149[0] : i32 from vector<1xi32>
      %broadcast_in_dim3A_151 = vector.broadcast %squeeze3A_150 : i32 to vector<16xi32>
      %slice3A_152 = vector.extract_strided_slice %get3A_31 {offsets = [15], sizes = [1], strides = [1]} : vector<16xi32> to vector<1xi32>
      %squeeze3A_153 = vector.extract %slice3A_152[0] : i32 from vector<1xi32>
      %broadcast_in_dim3A_154 = vector.broadcast %squeeze3A_153 : i32 to vector<16xi32>
      %scan3A_155 = arith.constant 0 : i32
      %scan3A_156 = arith.constant 256 : i32
      %scan3A_157 = arith.addi %scan3A_155, %scan3A_156 : i32
      %scan3A_158 = arith.constant 1 : i32
      %scan3A_159:16 = scf.for %scan3A_185 = %scan3A_155 to %scan3A_157 step %scan3A_158 iter_args(%scan3A_186 = %broadcast_in_dim3A_3, %scan3A_187 = %broadcast_in_dim3A_3, %scan3A_188 = %broadcast_in_dim3A_3, %scan3A_189 = %broadcast_in_dim3A_3, %scan3A_190 = %broadcast_in_dim3A_3, %scan3A_191 = %broadcast_in_dim3A_3, %scan3A_192 = %broadcast_in_dim3A_3, %scan3A_193 = %broadcast_in_dim3A_3, %scan3A_194 = %broadcast_in_dim3A_5, %scan3A_195 = %broadcast_in_dim3A_5, %scan3A_196 = %broadcast_in_dim3A_5, %scan3A_197 = %broadcast_in_dim3A_5, %scan3A_198 = %broadcast_in_dim3A_5, %scan3A_199 = %broadcast_in_dim3A_5, %scan3A_200 = %broadcast_in_dim3A_5, %scan3A_201 = %broadcast_in_dim3A_5) -> (vector<16xf32>, vector<16xf32>, vector<16xf32>, vector<16xf32>, vector<16xf32>, vector<16xf32>, vector<16xf32>, vector<16xf32>, vector<16xi32>, vector<16xi32>, vector<16xi32>, vector<16xi32>, vector<16xi32>, vector<16xi32>, vector<16xi32>, vector<16xi32>)  : i32 {
        %mul3A_202 = arith.constant 16 : i32
        %mul3A_203 = arith.muli %scan3A_185, %mul3A_202 : i32
        %get3A_204 = arith.index_cast %mul3A_203 : i32 to index
        %get3A_205 = tpu.vector_load %arg6[%get3A_204] {strides = array<i32>} : memref<4096xf32, #tpu.memory_space<vmem>>, vector<16xf32>,
        %get3A_206 = vector.shape_cast %get3A_205 : vector<16xf32> to vector<16xf32>
        %mul3A_207 = arith.constant 16 : i32
        %mul3A_208 = arith.muli %scan3A_185, %mul3A_207 : i32
        %get3A_209 = arith.index_cast %mul3A_208 : i32 to index
        %get3A_210 = tpu.vector_load %arg7[%get3A_209] {strides = array<i32>} : memref<4096xi32, #tpu.memory_space<vmem>>, vector<16xi32>,
        %get3A_211 = vector.shape_cast %get3A_210 : vector<16xi32> to vector<16xi32>
        %sub3A = arith.constant 1.000000e+00 : f32
        %sub3A_212 = vector.broadcast %sub3A : f32 to vector<16xf32>
        %sub3A_213 = arith.subf %sub3A_212, %get3A_206 : vector<16xf32>
        %gt3A = arith.cmpi sgt, %get3A_211, %broadcast_in_dim3A_133 : vector<16xi32>
        %add3A_214 = arith.addf %sub3A_213, %broadcast_in_dim3A_109 : vector<16xf32>
        %max3A = arith.constant 0.000000e+00 : f32
        %max3A_215 = vector.broadcast %max3A : f32 to vector<16xf32>
        %max3A_216 = arith.maximumf %add3A_214, %max3A_215 : vector<16xf32>
        %mul3A_217 = arith.mulf %max3A_216, %max3A_216 : vector<16xf32>
        %add3A_218 = arith.addf %scan3A_186, %mul3A_217 : vector<16xf32>
        %select_n3A = arith.select %gt3A, %add3A_218, %scan3A_186 : vector<16xi1>, vector<16xf32>
        %add3A_219 = arith.constant 1 : i32
        %add3A_220 = vector.broadcast %add3A_219 : i32 to vector<16xi32>
        %add3A_221 = arith.addi %scan3A_194, %add3A_220 : vector<16xi32>
        %select_n3A_222 = arith.select %gt3A, %add3A_221, %scan3A_194 : vector<16xi1>, vector<16xi32>
        %gt3A_223 = arith.cmpi sgt, %get3A_211, %broadcast_in_dim3A_136 : vector<16xi32>
        %add3A_224 = arith.addf %sub3A_213, %broadcast_in_dim3A_112 : vector<16xf32>
        %max3A_225 = arith.constant 0.000000e+00 : f32
        %max3A_226 = vector.broadcast %max3A_225 : f32 to vector<16xf32>
        %max3A_227 = arith.maximumf %add3A_224, %max3A_226 : vector<16xf32>
        %mul3A_228 = arith.mulf %max3A_227, %max3A_227 : vector<16xf32>
        %add3A_229 = arith.addf %scan3A_187, %mul3A_228 : vector<16xf32>
        %select_n3A_230 = arith.select %gt3A_223, %add3A_229, %scan3A_187 : vector<16xi1>, vector<16xf32>
        %add3A_231 = arith.constant 1 : i32
        %add3A_232 = vector.broadcast %add3A_231 : i32 to vector<16xi32>
        %add3A_233 = arith.addi %scan3A_195, %add3A_232 : vector<16xi32>
        %select_n3A_234 = arith.select %gt3A_223, %add3A_233, %scan3A_195 : vector<16xi1>, vector<16xi32>
        %gt3A_235 = arith.cmpi sgt, %get3A_211, %broadcast_in_dim3A_139 : vector<16xi32>
        %add3A_236 = arith.addf %sub3A_213, %broadcast_in_dim3A_115 : vector<16xf32>
        %max3A_237 = arith.constant 0.000000e+00 : f32
        %max3A_238 = vector.broadcast %max3A_237 : f32 to vector<16xf32>
        %max3A_239 = arith.maximumf %add3A_236, %max3A_238 : vector<16xf32>
        %mul3A_240 = arith.mulf %max3A_239, %max3A_239 : vector<16xf32>
        %add3A_241 = arith.addf %scan3A_188, %mul3A_240 : vector<16xf32>
        %select_n3A_242 = arith.select %gt3A_235, %add3A_241, %scan3A_188 : vector<16xi1>, vector<16xf32>
        %add3A_243 = arith.constant 1 : i32
        %add3A_244 = vector.broadcast %add3A_243 : i32 to vector<16xi32>
        %add3A_245 = arith.addi %scan3A_196, %add3A_244 : vector<16xi32>
        %select_n3A_246 = arith.select %gt3A_235, %add3A_245, %scan3A_196 : vector<16xi1>, vector<16xi32>
        %gt3A_247 = arith.cmpi sgt, %get3A_211, %broadcast_in_dim3A_142 : vector<16xi32>
        %add3A_248 = arith.addf %sub3A_213, %broadcast_in_dim3A_118 : vector<16xf32>
        %max3A_249 = arith.constant 0.000000e+00 : f32
        %max3A_250 = vector.broadcast %max3A_249 : f32 to vector<16xf32>
        %max3A_251 = arith.maximumf %add3A_248, %max3A_250 : vector<16xf32>
        %mul3A_252 = arith.mulf %max3A_251, %max3A_251 : vector<16xf32>
        %add3A_253 = arith.addf %scan3A_189, %mul3A_252 : vector<16xf32>
        %select_n3A_254 = arith.select %gt3A_247, %add3A_253, %scan3A_189 : vector<16xi1>, vector<16xf32>
        %add3A_255 = arith.constant 1 : i32
        %add3A_256 = vector.broadcast %add3A_255 : i32 to vector<16xi32>
        %add3A_257 = arith.addi %scan3A_197, %add3A_256 : vector<16xi32>
        %select_n3A_258 = arith.select %gt3A_247, %add3A_257, %scan3A_197 : vector<16xi1>, vector<16xi32>
        %gt3A_259 = arith.cmpi sgt, %get3A_211, %broadcast_in_dim3A_145 : vector<16xi32>
        %add3A_260 = arith.addf %sub3A_213, %broadcast_in_dim3A_121 : vector<16xf32>
        %max3A_261 = arith.constant 0.000000e+00 : f32
        %max3A_262 = vector.broadcast %max3A_261 : f32 to vector<16xf32>
        %max3A_263 = arith.maximumf %add3A_260, %max3A_262 : vector<16xf32>
        %mul3A_264 = arith.mulf %max3A_263, %max3A_263 : vector<16xf32>
        %add3A_265 = arith.addf %scan3A_190, %mul3A_264 : vector<16xf32>
        %select_n3A_266 = arith.select %gt3A_259, %add3A_265, %scan3A_190 : vector<16xi1>, vector<16xf32>
        %add3A_267 = arith.constant 1 : i32
        %add3A_268 = vector.broadcast %add3A_267 : i32 to vector<16xi32>
        %add3A_269 = arith.addi %scan3A_198, %add3A_268 : vector<16xi32>
        %select_n3A_270 = arith.select %gt3A_259, %add3A_269, %scan3A_198 : vector<16xi1>, vector<16xi32>
        %gt3A_271 = arith.cmpi sgt, %get3A_211, %broadcast_in_dim3A_148 : vector<16xi32>
        %add3A_272 = arith.addf %sub3A_213, %broadcast_in_dim3A_124 : vector<16xf32>
        %max3A_273 = arith.constant 0.000000e+00 : f32
        %max3A_274 = vector.broadcast %max3A_273 : f32 to vector<16xf32>
        %max3A_275 = arith.maximumf %add3A_272, %max3A_274 : vector<16xf32>
        %mul3A_276 = arith.mulf %max3A_275, %max3A_275 : vector<16xf32>
        %add3A_277 = arith.addf %scan3A_191, %mul3A_276 : vector<16xf32>
        %select_n3A_278 = arith.select %gt3A_271, %add3A_277, %scan3A_191 : vector<16xi1>, vector<16xf32>
        %add3A_279 = arith.constant 1 : i32
        %add3A_280 = vector.broadcast %add3A_279 : i32 to vector<16xi32>
        %add3A_281 = arith.addi %scan3A_199, %add3A_280 : vector<16xi32>
        %select_n3A_282 = arith.select %gt3A_271, %add3A_281, %scan3A_199 : vector<16xi1>, vector<16xi32>
        %gt3A_283 = arith.cmpi sgt, %get3A_211, %broadcast_in_dim3A_151 : vector<16xi32>
        %add3A_284 = arith.addf %sub3A_213, %broadcast_in_dim3A_127 : vector<16xf32>
        %max3A_285 = arith.constant 0.000000e+00 : f32
        %max3A_286 = vector.broadcast %max3A_285 : f32 to vector<16xf32>
        %max3A_287 = arith.maximumf %add3A_284, %max3A_286 : vector<16xf32>
        %mul3A_288 = arith.mulf %max3A_287, %max3A_287 : vector<16xf32>
        %add3A_289 = arith.addf %scan3A_192, %mul3A_288 : vector<16xf32>
        %select_n3A_290 = arith.select %gt3A_283, %add3A_289, %scan3A_192 : vector<16xi1>, vector<16xf32>
        %add3A_291 = arith.constant 1 : i32
        %add3A_292 = vector.broadcast %add3A_291 : i32 to vector<16xi32>
        %add3A_293 = arith.addi %scan3A_200, %add3A_292 : vector<16xi32>
        %select_n3A_294 = arith.select %gt3A_283, %add3A_293, %scan3A_200 : vector<16xi1>, vector<16xi32>
        %gt3A_295 = arith.cmpi sgt, %get3A_211, %broadcast_in_dim3A_154 : vector<16xi32>
        %add3A_296 = arith.addf %sub3A_213, %broadcast_in_dim3A_130 : vector<16xf32>
        %max3A_297 = arith.constant 0.000000e+00 : f32
        %max3A_298 = vector.broadcast %max3A_297 : f32 to vector<16xf32>
        %max3A_299 = arith.maximumf %add3A_296, %max3A_298 : vector<16xf32>
        %mul3A_300 = arith.mulf %max3A_299, %max3A_299 : vector<16xf32>
        %add3A_301 = arith.addf %scan3A_193, %mul3A_300 : vector<16xf32>
        %select_n3A_302 = arith.select %gt3A_295, %add3A_301, %scan3A_193 : vector<16xi1>, vector<16xf32>
        %add3A_303 = arith.constant 1 : i32
        %add3A_304 = vector.broadcast %add3A_303 : i32 to vector<16xi32>
        %add3A_305 = arith.addi %scan3A_201, %add3A_304 : vector<16xi32>
        %select_n3A_306 = arith.select %gt3A_295, %add3A_305, %scan3A_201 : vector<16xi1>, vector<16xi32>
        scf.yield %select_n3A, %select_n3A_230, %select_n3A_242, %select_n3A_254, %select_n3A_266, %select_n3A_278, %select_n3A_290, %select_n3A_302, %select_n3A_222, %select_n3A_234, %select_n3A_246, %select_n3A_258, %select_n3A_270, %select_n3A_282, %select_n3A_294, %select_n3A_306 : vector<16xf32>, vector<16xf32>, vector<16xf32>, vector<16xf32>, vector<16xf32>, vector<16xf32>, vector<16xf32>, vector<16xf32>, vector<16xi32>, vector<16xi32>, vector<16xi32>, vector<16xi32>, vector<16xi32>, vector<16xi32>, vector<16xi32>, vector<16xi32>
      }
      %scan3A_160 = arith.constant 256 : i32
      %add3A_161 = arith.addf %add3A_104, %scan3A_159#0 : vector<16xf32>
      %convert_element_type3A_162 = arith.sitofp %scan3A_159#8 : vector<16xi32> to vector<16xf32>
      %add3A_163 = arith.addf %add3A_106, %convert_element_type3A_162 : vector<16xf32>
      %add3A_164 = arith.addf %add3A_161, %scan3A_159#1 : vector<16xf32>
      %convert_element_type3A_165 = arith.sitofp %scan3A_159#9 : vector<16xi32> to vector<16xf32>
      %add3A_166 = arith.addf %add3A_163, %convert_element_type3A_165 : vector<16xf32>
      %add3A_167 = arith.addf %add3A_164, %scan3A_159#2 : vector<16xf32>
      %convert_element_type3A_168 = arith.sitofp %scan3A_159#10 : vector<16xi32> to vector<16xf32>
      %add3A_169 = arith.addf %add3A_166, %convert_element_type3A_168 : vector<16xf32>
      %add3A_170 = arith.addf %add3A_167, %scan3A_159#3 : vector<16xf32>
      %convert_element_type3A_171 = arith.sitofp %scan3A_159#11 : vector<16xi32> to vector<16xf32>
      %add3A_172 = arith.addf %add3A_169, %convert_element_type3A_171 : vector<16xf32>
      %add3A_173 = arith.addf %add3A_170, %scan3A_159#4 : vector<16xf32>
      %convert_element_type3A_174 = arith.sitofp %scan3A_159#12 : vector<16xi32> to vector<16xf32>
      %add3A_175 = arith.addf %add3A_172, %convert_element_type3A_174 : vector<16xf32>
      %add3A_176 = arith.addf %add3A_173, %scan3A_159#5 : vector<16xf32>
      %convert_element_type3A_177 = arith.sitofp %scan3A_159#13 : vector<16xi32> to vector<16xf32>
      %add3A_178 = arith.addf %add3A_175, %convert_element_type3A_177 : vector<16xf32>
      %add3A_179 = arith.addf %add3A_176, %scan3A_159#6 : vector<16xf32>
      %convert_element_type3A_180 = arith.sitofp %scan3A_159#14 : vector<16xi32> to vector<16xf32>
      %add3A_181 = arith.addf %add3A_178, %convert_element_type3A_180 : vector<16xf32>
      %add3A_182 = arith.addf %add3A_179, %scan3A_159#7 : vector<16xf32>
      %convert_element_type3A_183 = arith.sitofp %scan3A_159#15 : vector<16xi32> to vector<16xf32>
      %add3A_184 = arith.addf %add3A_181, %convert_element_type3A_183 : vector<16xf32>
      scf.yield %add3A_182, %add3A_184 : vector<16xf32>, vector<16xf32>
    }
    %scan3A_10 = arith.constant 2 : i32
    %swap3A = arith.constant 0 : index
    %swap3A_11 = tpu.vector_load %arg8[%swap3A] {strides = array<i32>} : memref<16xf32, #tpu.memory_space<vmem>>, vector<16xf32>,
    %swap3A_12 = vector.shape_cast %swap3A_11 : vector<16xf32> to vector<16xf32>
    %swap3A_13 = vector.shape_cast %scan3A_9#0 : vector<16xf32> to vector<16xf32>
    tpu.vector_store %arg8[%swap3A], %swap3A_13 {strides = array<i32>} : memref<16xf32, #tpu.memory_space<vmem>>, vector<16xf32>,
    %swap3A_14 = arith.constant 0 : index
    %swap3A_15 = tpu.vector_load %arg9[%swap3A_14] {strides = array<i32>} : memref<16xf32, #tpu.memory_space<vmem>>, vector<16xf32>,
    %swap3A_16 = vector.shape_cast %swap3A_15 : vector<16xf32> to vector<16xf32>
    %swap3A_17 = vector.shape_cast %scan3A_9#1 : vector<16xf32> to vector<16xf32>
    tpu.vector_store %arg9[%swap3A_14], %swap3A_17 {strides = array<i32>} : memref<16xf32, #tpu.memory_space<vmem>>, vector<16xf32>,
    "tpu.region"() ({
      %run_scoped3A = tpu.sem_alloc : memref<!tpu.dma_semaphore, #tpu.memory_space<semaphore_mem>>
      %dma_start3A = arith.constant 0 : i32
      %dma_start3A_18 = tpu.memref_slice %arg4[%add3A, %dma_start3A] : memref<32x16xf32, #tpu.memory_space<hbm>> -> memref<1x16xf32, #tpu.memory_space<hbm>>
      %dma_start3A_19 = tpu.memref_squeeze %dma_start3A_18 : memref<1x16xf32, #tpu.memory_space<hbm>> -> memref<16xf32, #tpu.memory_space<hbm>>
      %dma_start3A_20 = arith.constant 0 : i32
      %dma_start3A_21 = tpu.memref_slice %arg4[%add3A, %dma_start3A_20] : memref<32x16xf32, #tpu.memory_space<hbm>> -> memref<1x16xf32, #tpu.memory_space<hbm>>
      %dma_start3A_22 = tpu.memref_squeeze %dma_start3A_21 : memref<1x16xf32, #tpu.memory_space<hbm>> -> memref<16xf32, #tpu.memory_space<hbm>>
      tpu.enqueue_dma source(%arg8 : memref<16xf32, #tpu.memory_space<vmem>>) target(%dma_start3A_22 : memref<16xf32, #tpu.memory_space<hbm>>) target_semaphore(%run_scoped3A : memref<!tpu.dma_semaphore, #tpu.memory_space<semaphore_mem>>)
      %dma_wait3A = arith.constant 0 : i32
      %dma_wait3A_23 = tpu.memref_slice %arg4[%add3A, %dma_wait3A] : memref<32x16xf32, #tpu.memory_space<hbm>> -> memref<1x16xf32, #tpu.memory_space<hbm>>
      %dma_wait3A_24 = tpu.memref_squeeze %dma_wait3A_23 : memref<1x16xf32, #tpu.memory_space<hbm>> -> memref<16xf32, #tpu.memory_space<hbm>>
      %dma_wait3A_25 = arith.constant 0 : i32
      %dma_wait3A_26 = tpu.memref_slice %arg4[%add3A, %dma_wait3A_25] : memref<32x16xf32, #tpu.memory_space<hbm>> -> memref<1x16xf32, #tpu.memory_space<hbm>>
      %dma_wait3A_27 = tpu.memref_squeeze %dma_wait3A_26 : memref<1x16xf32, #tpu.memory_space<hbm>> -> memref<16xf32, #tpu.memory_space<hbm>>
      tpu.wait_dma2 semaphore(%run_scoped3A : memref<!tpu.dma_semaphore, #tpu.memory_space<semaphore_mem>>) src(%arg8 : memref<16xf32, #tpu.memory_space<vmem>>) dst(%dma_wait3A_27 : memref<16xf32, #tpu.memory_space<hbm>>)
      tpu.yield
    }) : () -> ()
    "tpu.region"() ({
      %run_scoped3A = tpu.sem_alloc : memref<!tpu.dma_semaphore, #tpu.memory_space<semaphore_mem>>
      %dma_start3A = arith.constant 0 : i32
      %dma_start3A_18 = tpu.memref_slice %arg5[%add3A, %dma_start3A] : memref<32x16xf32, #tpu.memory_space<hbm>> -> memref<1x16xf32, #tpu.memory_space<hbm>>
      %dma_start3A_19 = tpu.memref_squeeze %dma_start3A_18 : memref<1x16xf32, #tpu.memory_space<hbm>> -> memref<16xf32, #tpu.memory_space<hbm>>
      %dma_start3A_20 = arith.constant 0 : i32
      %dma_start3A_21 = tpu.memref_slice %arg5[%add3A, %dma_start3A_20] : memref<32x16xf32, #tpu.memory_space<hbm>> -> memref<1x16xf32, #tpu.memory_space<hbm>>
      %dma_start3A_22 = tpu.memref_squeeze %dma_start3A_21 : memref<1x16xf32, #tpu.memory_space<hbm>> -> memref<16xf32, #tpu.memory_space<hbm>>
      tpu.enqueue_dma source(%arg9 : memref<16xf32, #tpu.memory_space<vmem>>) target(%dma_start3A_22 : memref<16xf32, #tpu.memory_space<hbm>>) target_semaphore(%run_scoped3A : memref<!tpu.dma_semaphore, #tpu.memory_space<semaphore_mem>>)
      %dma_wait3A = arith.constant 0 : i32
      %dma_wait3A_23 = tpu.memref_slice %arg5[%add3A, %dma_wait3A] : memref<32x16xf32, #tpu.memory_space<hbm>> -> memref<1x16xf32, #tpu.memory_space<hbm>>
      %dma_wait3A_24 = tpu.memref_squeeze %dma_wait3A_23 : memref<1x16xf32, #tpu.memory_space<hbm>> -> memref<16xf32, #tpu.memory_space<hbm>>
      %dma_wait3A_25 = arith.constant 0 : i32
      %dma_wait3A_26 = tpu.memref_slice %arg5[%add3A, %dma_wait3A_25] : memref<32x16xf32, #tpu.memory_space<hbm>> -> memref<1x16xf32, #tpu.memory_space<hbm>>
      %dma_wait3A_27 = tpu.memref_squeeze %dma_wait3A_26 : memref<1x16xf32, #tpu.memory_space<hbm>> -> memref<16xf32, #tpu.memory_space<hbm>>
      tpu.wait_dma2 semaphore(%run_scoped3A : memref<!tpu.dma_semaphore, #tpu.memory_space<semaphore_mem>>) src(%arg9 : memref<16xf32, #tpu.memory_space<vmem>>) dst(%dma_wait3A_27 : memref<16xf32, #tpu.memory_space<hbm>>)
      tpu.yield
    }) : () -> ()
    return
  }
}

module attributes {stable_mosaic.version = 14 : i64} {
  func.func @_tc_hinge_body(%arg0: memref<32x128xf32, #tpu.memory_space<vmem>>, %arg1: memref<32x128xi32, #tpu.memory_space<vmem>>, %arg2: memref<2x128xf32, #tpu.memory_space<vmem>>) attributes {dimension_semantics = [], scalar_prefetch = 0 : i64, scratch_operands = 0 : i64, tpu.core_type = #tpu.core_type<tc>} {
    %get3A = arith.constant 0 : index
    %get3A_0 = arith.constant 0 : index
    %get3A_1 = vector.load %arg0[%get3A, %get3A_0] : memref<32x128xf32, #tpu.memory_space<vmem>>, vector<32x128xf32>
    %reshape3A = vector.shape_cast %get3A_1 : vector<32x128xf32> to vector<1x4096xf32>
    %get3A_2 = arith.constant 0 : index
    %get3A_3 = arith.constant 0 : index
    %get3A_4 = vector.load %arg1[%get3A_2, %get3A_3] : memref<32x128xi32, #tpu.memory_space<vmem>>, vector<32x128xi32>
    %reshape3A_5 = vector.shape_cast %get3A_4 : vector<32x128xi32> to vector<1x4096xi32>
    %scan3A = arith.constant 0.000000e+00 : f32
    %scan3A_6 = arith.constant 0.000000e+00 : f32
    %scan3A_7 = arith.constant 8 : i32
    %scan3A_8 = arith.constant 24 : i32
    %scan3A_9 = arith.addi %scan3A_7, %scan3A_8 : i32
    %scan3A_10 = arith.constant 1 : i32
    %scan3A_11:2 = scf.for %scan3A_18 = %scan3A_7 to %scan3A_9 step %scan3A_10 iter_args(%scan3A_19 = %scan3A, %scan3A_20 = %scan3A_6) -> (f32, f32)  : i32 {
      %get3A_21 = arith.index_cast %scan3A_18 : i32 to index
      %get3A_22 = arith.constant 0 : index
      %get3A_23 = vector.load %arg0[%get3A_21, %get3A_22] : memref<32x128xf32, #tpu.memory_space<vmem>>, vector<1x128xf32>
      %get3A_24 = vector.shape_cast %get3A_23 : vector<1x128xf32> to vector<128xf32>
      %get3A_25 = arith.index_cast %scan3A_18 : i32 to index
      %get3A_26 = arith.constant 0 : index
      %get3A_27 = vector.load %arg1[%get3A_25, %get3A_26] : memref<32x128xi32, #tpu.memory_space<vmem>>, vector<1x128xi32>
      %get3A_28 = vector.shape_cast %get3A_27 : vector<1x128xi32> to vector<128xi32>
      %broadcast_in_dim3A_29 = vector.shape_cast %get3A_28 : vector<128xi32> to vector<128x1xi32>
      %lt3A = vector.broadcast %broadcast_in_dim3A_29 : vector<128x1xi32> to vector<128x4096xi32>
      %lt3A_30 = vector.broadcast %reshape3A_5 : vector<1x4096xi32> to vector<128x4096xi32>
      %lt3A_31 = arith.cmpi slt, %lt3A, %lt3A_30 : vector<128x4096xi32>
      %broadcast_in_dim3A_32 = vector.shape_cast %get3A_24 : vector<128xf32> to vector<128x1xf32>
      %add3A = arith.constant 1.000000e+00 : f32
      %add3A_33 = vector.broadcast %add3A : f32 to vector<128x1xf32>
      %add3A_34 = arith.addf %add3A_33, %broadcast_in_dim3A_32 : vector<128x1xf32>
      %sub3A = vector.broadcast %add3A_34 : vector<128x1xf32> to vector<128x4096xf32>
      %sub3A_35 = vector.broadcast %reshape3A : vector<1x4096xf32> to vector<128x4096xf32>
      %sub3A_36 = arith.subf %sub3A, %sub3A_35 : vector<128x4096xf32>
      %max3A = arith.constant 0.000000e+00 : f32
      %max3A_37 = vector.broadcast %max3A : f32 to vector<128x4096xf32>
      %max3A_38 = arith.maximumf %sub3A_36, %max3A_37 : vector<128x4096xf32>
      %mul3A = arith.mulf %max3A_38, %max3A_38 : vector<128x4096xf32>
      %jit3A = arith.constant 0.000000e+00 : f32
      %broadcast_in_dim3A_39 = vector.broadcast %jit3A : f32 to vector<128x4096xf32>
      %select_n3A = arith.select %lt3A_31, %mul3A, %broadcast_in_dim3A_39 : vector<128x4096xi1>, vector<128x4096xf32>
      %reduce_sum3A = vector.shape_cast %select_n3A : vector<128x4096xf32> to vector<1x128x4096xf32>
      %reduce_sum3A_40 = arith.constant dense<0.000000e+00> : vector<1xf32>
      %reduce_sum3A_41 = vector.multi_reduction <add>, %reduce_sum3A, %reduce_sum3A_40 [1, 2] : vector<1x128x4096xf32> to vector<1xf32>
      %reduce_sum3A_42 = vector.shape_cast %reduce_sum3A_41 : vector<1xf32> to vector<1x1x1xf32>
      %reduce_sum3A_43 = vector.extract %reduce_sum3A_42[0, 0, 0] : f32 from vector<1x1x1xf32>
      %add3A_44 = arith.addf %scan3A_19, %reduce_sum3A_43 : f32
      %jit3A_45 = arith.constant 1.000000e+00 : f32
      %jit3A_46 = arith.constant 0.000000e+00 : f32
      %broadcast_in_dim3A_47 = vector.broadcast %jit3A_45 : f32 to vector<128x4096xf32>
      %broadcast_in_dim3A_48 = vector.broadcast %jit3A_46 : f32 to vector<128x4096xf32>
      %select_n3A_49 = arith.select %lt3A_31, %broadcast_in_dim3A_47, %broadcast_in_dim3A_48 : vector<128x4096xi1>, vector<128x4096xf32>
      %reduce_sum3A_50 = vector.shape_cast %select_n3A_49 : vector<128x4096xf32> to vector<1x128x4096xf32>
      %reduce_sum3A_51 = arith.constant dense<0.000000e+00> : vector<1xf32>
      %reduce_sum3A_52 = vector.multi_reduction <add>, %reduce_sum3A_50, %reduce_sum3A_51 [1, 2] : vector<1x128x4096xf32> to vector<1xf32>
      %reduce_sum3A_53 = vector.shape_cast %reduce_sum3A_52 : vector<1xf32> to vector<1x1x1xf32>
      %reduce_sum3A_54 = vector.extract %reduce_sum3A_53[0, 0, 0] : f32 from vector<1x1x1xf32>
      %add3A_55 = arith.addf %scan3A_20, %reduce_sum3A_54 : f32
      scf.yield %add3A_44, %add3A_55 : f32, f32
    }
    %scan3A_12 = arith.constant 24 : i32
    %broadcast_in_dim3A = vector.broadcast %scan3A_11#0 : f32 to vector<128xf32>
    %broadcast_in_dim3A_13 = vector.broadcast %scan3A_11#1 : f32 to vector<128xf32>
    %stack3A = vector.shape_cast %broadcast_in_dim3A : vector<128xf32> to vector<1x128xf32>
    %stack3A_14 = vector.shape_cast %broadcast_in_dim3A_13 : vector<128xf32> to vector<1x128xf32>
    %stack3A_15 = tpu.concatenate %stack3A, %stack3A_14 in 0 : vector<1x128xf32>, vector<1x128xf32> -> vector<2x128xf32>
    %swap3A = arith.constant 0 : index
    %swap3A_16 = arith.constant 0 : index
    %swap3A_17 = vector.load %arg2[%swap3A, %swap3A_16] : memref<2x128xf32, #tpu.memory_space<vmem>>, vector<2x128xf32>
    tpu.vector_store %arg2[%swap3A, %swap3A_16], %stack3A_15 {strides = array<i32>} : memref<2x128xf32, #tpu.memory_space<vmem>>, vector<2x128xf32>,
    return
  }
}

</mosaic_0001>

<sc_bundles>
// kernel: kernel.4.cloned.1.call-start
scs
__scs_entry_jumppad:
0x0: {  	(pc) =	sbr.rel $0x88, $3  }
0x1: {  	(tag) =	ssettag $0x0;
	lr =	simm.s32 $0x1  }
0x2: {  	[smem:$0x3F9F] =	sst lr;
	_ =	strace $0xD0000000  }
0x3: {  	_ = 	snop  }
0x4: {  	_ = 	snop  }
0x5: {  	_ = 	snop  }
0x6: {  	_ = 	snop  }
0x7: {  	_ = 	snop  }
__scs_overlays_trampoline_lowered:
0x8: {  	[smem:$0x3FAE] =	sst s0  }
0x9: {  	[smem:$0x3FAF] =	sst s1  }
0xa: {  	[smem:$0x3FB0] =	sst s2  }
0xb: {  	[smem:$0x3FB1] =	sst s3  }
0xc: {  	[smem:$0x3FB2] =	sst s4  }
0xd: {  	[smem:$0x3FB3] =	sst s5  }
0xe: {  	[smem:$0x3FB4] =	sst s6  }
0xf: {  	[smem:$0x3FB5] =	sst s7  }
0x10: {  	[smem:$0x3FB6] =	sst s8  }
0x11: {  	[smem:$0x3FB7] =	sst s9;
	s0 =	simm.s32 @!p0 $0x0  }
0x12: {  	s1 =	sld [smem:$0x3F9D];
	s0 =	simm.s32 @p0 $0x1  }
0x13: {  	[smem:$0x3FB8] =	sst s0;
	s0 =	simm.s32 @!p1 $0x0  }
0x14: {  	s2 =	sld [smem:$0x3F9C];
	s0 =	simm.s32 @p1 $0x1  }
0x15: {  	[smem:$0x3FB9] =	sst s0;
	s0 =	simm.s32 @!p2 $0x0  }
0x16: {  	s3 =	sld [smem:$0x3FDB];
	s0 =	simm.s32 @p2 $0x1  }
0x17: {  	s4 =	simm.s32 $0x1BF5;
	[smem:$0x3FBB] =	sst s0  }
0x18: {  	s0 =	sld [smem:$0x3F9E];
	_ =	swait.ge [sflag:s4], $0x0  }
0x19: {  	s7 =	sld [smem:$0x3F9F]  }
0x1a: {  	s8 =	sadd.s32 $0xFFFFE003, lr  }
0x1b: {  	s9 =	sadd.s32 $0xFFFFFEF7, lr;
	s5 =	simm.s32 $0xFFFFFFFF;
	p2 =	slt.u32 s8, $0xFFFFF086  }
0x1c: {  	p1 =	slt.u32 s9, $0xF7A;
	s5 =	simm.s32 @!p2 $0x0  }
0x1d: {  	s5 =	simm.s32 @p1 $0x1;
	p0 =	seq.s32 s7, s2  }
0x1e: {  	s7 =	smul.u32 @!p0 $0xF7A, s2;
	p2 =	seq.s32 @!p0 s5, $0x0  }
0x1f: {  	s9 =	smul.u32 $0xF7A, s1;
	s8 =	simm.s32 @!p0 $0x1BF5;
	p2 =	por !p2, p0  }
0x20: {  	[sflag:s8] =	ssyncset.s32 @!p0 $0xFFFFF086;
	s6 =	sadd.s32 @!p0 s3, s7;
	s7 =	simm.s32 @!p0 $0x108  }
0x21: {  	s3 =	sadd.s32 s3, s9;
	s6 =	sadd.s32 @!p0 $0x88, s6;
	s7 =	simm.s32 @p2 $0x1082  }
0x22: {  	[simem:s7], [sflag:s8] =	dma.local @!p0 [hbm:s6], $0xF7A  }
0x23: {  	s9 =	sor.u32 $0xD0000000, s2;
	s6 =	simm.s32 $0x108;
	_ =	swait.ge @!p0 [sflag:s8], $0x0  }
0x24: {  	s3 =	sadd.s32 $0x88, s3;
	s6 =	simm.s32 @!p1 $0x1082;
	[sflag:s4] =	ssyncset.s32 $0xFFFFF086  }
0x25: {  	[simem:s6], [sflag:s4] =	dma.local [hbm:s3], $0xF7A  }
0x26: {  	[smem:$0x3F9F] =	sst s1;
	(tag) =	ssettag s2;
	_ =	strace s9  }
0x27: {  	s1 =	sld [smem:$0x3FAF]  }
0x28: {  	s2 =	sld [smem:$0x3FB0]  }
0x29: {  	s4 =	sld [smem:$0x3FB2]  }
0x2a: {  	p0 =	seq.s32 s5, $0x0;
	s5 =	sld [smem:$0x3FB3]  }
0x2b: {  	s6 =	sld [smem:$0x3FB4]  }
0x2c: {  	s7 =	sld [smem:$0x3FB5]  }
0x2d: {  	s3 =	simm.s32 $0x108;
	s8 =	sld [smem:$0x3FB6]  }
0x2e: {  	s3 =	simm.s32 @!p0 $0x1082;
	s9 =	sld [smem:$0x3FB7]  }
0x2f: {  	lr =	sadd.s32 s0, s3;
	s0 =	sld [smem:$0x3FAE]  }
0x30: {  	s3 =	sld [smem:$0x3FB1]  }
0x31: {  	[smem:$0x3FBA] =	sst s10  }
0x32: {  	s10 =	sld [smem:$0x3FB8];
	_ =	sdelay $0x3  }
0x33: {  	p0 =	seq.s32 s10, $0x1;
	s10 =	sld [smem:$0x3FBA];
	_ =	sdelay $0x3  }
0x34: {  	[smem:$0x3FBA] =	sst s10  }
0x35: {  	s10 =	sld [smem:$0x3FB9];
	_ =	sdelay $0x3  }
0x36: {  	p1 =	seq.s32 s10, $0x1;
	s10 =	sld [smem:$0x3FBA];
	_ =	sdelay $0x3  }
0x37: {  	[smem:$0x3FBA] =	sst s10  }
0x38: {  	s10 =	sld [smem:$0x3FBB]  }
0x39: {  	_ = 	snop;
	(pc) =	sbr.ind lr, $3  }
0x3a: {  	_ = 	snop  }
0x3b: {  	_ = 	snop  }
0x3c: {  	p2 =	seq.s32 s10, $0x1;
	s10 =	sld [smem:$0x3FBA]  }
0x3d: {  	_ =	shalt  }
0x3e: {  	_ =	shalt  }
0x3f: {  	_ =	shalt  }
0x40: {  	_ =	shalt  }
0x41: {  	_ =	shalt  }
0x42: {  	_ =	shalt  }
0x43: {  	_ =	shalt  }
0x44: {  	_ =	shalt  }
0x45: {  	_ =	shalt  }
0x46: {  	_ =	shalt  }
0x47: {  	_ =	shalt  }
0x48: {  	_ =	shalt  }
0x49: {  	_ =	shalt  }
0x4a: {  	_ =	shalt  }
0x4b: {  	_ =	shalt  }
0x4c: {  	_ =	shalt  }
0x4d: {  	_ =	shalt  }
0x4e: {  	_ =	shalt  }
0x4f: {  	_ =	shalt  }
0x50: {  	_ =	shalt  }
0x51: {  	_ =	shalt  }
0x52: {  	_ =	shalt  }
0x53: {  	_ =	shalt  }
0x54: {  	_ =	shalt  }
0x55: {  	_ =	shalt  }
0x56: {  	_ =	shalt  }
0x57: {  	_ =	shalt  }
0x58: {  	_ =	shalt  }
0x59: {  	_ =	shalt  }
0x5a: {  	_ =	shalt  }
0x5b: {  	_ =	shalt  }
0x5c: {  	_ =	shalt  }
0x5d: {  	_ =	shalt  }
0x5e: {  	_ =	shalt  }
0x5f: {  	_ =	shalt  }
0x60: {  	_ =	shalt  }
0x61: {  	_ =	shalt  }
0x62: {  	_ =	shalt  }
0x63: {  	_ =	shalt  }
0x64: {  	_ =	shalt  }
0x65: {  	_ =	shalt  }
0x66: {  	_ =	shalt  }
0x67: {  	_ =	shalt  }
0x68: {  	_ =	shalt  }
0x69: {  	_ =	shalt  }
0x6a: {  	_ =	shalt  }
0x6b: {  	_ =	shalt  }
0x6c: {  	_ =	shalt  }
0x6d: {  	_ =	shalt  }
0x6e: {  	_ =	shalt  }
0x6f: {  	_ =	shalt  }
0x70: {  	_ =	shalt  }
0x71: {  	_ =	shalt  }
0x72: {  	_ =	shalt  }
0x73: {  	_ =	shalt  }
0x74: {  	_ =	shalt  }
0x75: {  	_ =	shalt  }
0x76: {  	_ =	shalt  }
0x77: {  	_ =	shalt  }
0x78: {  	_ =	shalt  }
0x79: {  	_ =	shalt  }
0x7a: {  	_ =	shalt  }
0x7b: {  	_ =	shalt  }
0x7c: {  	_ =	shalt  }
0x7d: {  	_ =	shalt  }
0x7e: {  	_ =	shalt  }
0x7f: {  	_ =	shalt  }
0x80: {  	_ =	shalt  }
0x81: {  	_ =	shalt  }
0x82: {  	_ =	shalt  }
0x83: {  	_ =	shalt  }
0x84: {  	_ =	shalt  }
0x85: {  	_ =	shalt  }
0x86: {  	_ =	shalt  }
0x87: {  	_ =	shalt  }
.Lfunc_end0:
.L_simem_size_0:
called_computation_lowered:
.L_overlay_start_0:
0x88: {  	s2 =	sld [smem:$0x3FD9]  }
0x89: {  	s3 =	sld [smem:$0x3FFE];
	_ =	sdelay $0x1  }
0x8a: {  	s1 =	srdreg.scid  }
0x8b: {  	s0 =	sand.u32 $0x1, s1  }
0x8c: {  	s17 =	sshll.u32 s0, $0xA;
	s2 =	sadd.s32 s3, s2  }
0x8d: {  	s2 =	sadd.s32 s2, s17  }
0x8e: {  	[smem:$0x3FC6] =	sst s2  }
0x8f: {  	_ = 	snop  }
0x90: {  	s2 =	sld [smem:$0x3FC9]  }
0x91: {  	s18 =	sld [smem:$0x3FC8];
	(tm) =	ssettm $0x1  }
0x92: {  	s4 =	sld [smem:$0x3FFB];
	_ =	sdelay $0x3  }
0x93: {  	_ =	strace s4  }
0x94: {  	s4 =	sld [smem:$0x3FFC];
	_ =	sdelay $0x3  }
0x95: {  	_ =	strace s4  }
0x96: {  	s4 =	sld [smem:$0x3FFD];
	_ =	sdelay $0x3  }
0x97: {  	_ =	strace s4  }
0x98: {  	_ =	strace $0x8FFFFFFF  }
0x99: {  	s19 =	sld [smem:$0x3FDB];
	_ =	sdelay $0x1  }
0x9a: {  	s5 =	simm.s32 $_scs_section_size  }
0x9b: {  	s6 =	simm.s32 $_size__tile_overlayer_lowered;
	s7 =	simm.s32 $_tile_overlayer_lowered  }
0x9c: {  	s22 =	simm.s32 $0x1BFF;
	s21 =	sshll.u32 s7, $0x1;
	s4 =	sadd.s32 s5, s19  }
0x9d: {  	s8 =	simm.s32 $0x0;
	s20 =	sshll.u32 s6, $0x1;
	s6 =	sadd.s32 s21, s4  }
0x9e: {  	[timem:s8], [sflag:s22] =	dma.local [hbm:s6], s20  }
0x9f: {  	_ =	swait.ge [sflag:s22], s20  }
0xa0: {  	s5 =	ssub.s32 $0x0, s20;
	[sflag:s22] =	ssyncset.done $0x0  }
0xa1: {  	[sflag:s22] =	ssyncadd.s32 s5;
	_ =	sdelay $0x1  }
0xa2: {  	s23 =	simm.s32 $0x1B8B  }
0xa3: {  	_ =	swait.ge [sflag:s23], $0x1  }
0xa4: {  	[sflag:s23] =	ssyncset.done $0x0  }
0xa5: {  	s25 =	simm.s32 $0x1B8E;
	s24 =	sld [smem:$0x3FFE];
	[sflag:s23] =	ssyncadd.s32 $0xFFFFFFFF  }
0xa6: {  	s26 =	simm.s32 $execute0_lowered;
	[smem:$0x3FD2] =	sst s25  }
0xa7: {  	s6 =	sshll.u32 s26, $0x1;
	_ =	strace $0x80000046;
	[dreg:$0x1] =	wrdreg $0xFFFFFFFF  }
0xa8: {  	s28 =	simm.s32 $_size_execute0_lowered;
	s4 =	sadd.s32 s4, s6;
	[dreg:$0x0] =	wrdreg $0x0  }
0xa9: {  	s6 =	sshll.u32 s28, $0x1;
	[dreg:$0x2] =	wrdreg s4  }
0xaa: {  	[dreg:$0x3] =	wrdreg s6  }
0xab: {  	[dreg:$0x4] =	wrdreg $0xC0  }
0xac: {  	_ =	task [dreg:s8], $0x5FFFF  }
0xad: {  	[dreg:$0x1] =	wrdreg $0xFFFFFFFF  }
0xae: {  	[dreg:$0x0] =	wrdreg $0x60  }
0xaf: {  	[dreg:$0x2] =	wrdreg s2  }
0xb0: {  	[dreg:$0x3] =	wrdreg s18  }
0xb1: {  	[dreg:$0x4] =	wrdreg s24  }
0xb2: {  	[dreg:$0x5] =	wrdreg $0x9  }
0xb3: {  	_ =	task.clear_ibuf [dreg:s8], $0x6FFFF;
	_ =	strace $0x90000046  }
0xb4: {  	s29 =	simm.s32 $0x9;
	_ =	strace $0x80000048  }
0xb5: {  	_ =	swait.ge [sflag:s29], $0x1  }
0xb6: {  	[sflag:s29] =	ssyncadd.s32 $0xFFFFFFFF  }
0xb7: {  	_ =	strace $0x90000048  }
0xb8: {  	_ =	sfence  }
0xb9: {  	s30 =	sld [smem:$0x0];
	_ =	sdelay $0x2  }
0xba: {  	s31 =	sshll.u32 s1, $0xD;
	s1 =	sshrl.u32 s1, $0x2  }
0xbb: {  	s3 =	sand.u32 $0x4000, s31;
	s1 =	sadd.s32 s1, s30  }
0xbc: {  	s0 =	sor.u32 s3, s0;
	s1 =	sshll.u32 s1, $0x11  }
0xbd: {  	s0 =	sor.u32 s1, s0  }
0xbe: {  	s0 =	sadd.s32 $0x8F2B, s0  }
0xbf: {  	[sflag:s0] =	ssyncadd.remote.s32 $0x1  }
0xc0: {  	_ =	sfence.sel $0xFFFF  }
0xc1: {  	[dreg:$0x0] =	wrdreg $0xFFFFFFFF;
	(pc) =	sbr.abs _section_cstart, $3  }
0xc2: {  	[dreg:$0x1] =	wrdreg $0xFFFFFFFF  }
0xc3: {  	_ =	task.clear_ibuf [dreg:s8], $0x2FFFF;
	_ =	strace $0x9FFFFFFF  }
0xc4: {  	(tm) =	ssettm $0x7FFFFFFF  }
0xc5: {  	_ =	shalt  }
tec
execute0_lowered:
.L_overlay_start_1:
0x0: {  	(tag) =	ssettag $0x1  }
0x1: {  	s2 =	rddreg [dreg:$0x0]  }
0x2: {  	s3 =	rddreg [dreg:$0x1]  }
0x3: {  	s5 =	rddreg [dreg:$0x2]  }
0x4: {  	s4 =	srdreg.scid;
	s1 =	stileid.u32  }
0x5: {  	s0 =	rddreg [dreg:$0x3];
	s10 =	simm.s32 $0x1000;
	s11 =	simm.s32 $0x2000  }
0x6: {  	s12 =	simm.s32 $0x2080;
	s6 =	sand.u32 $0x1, s4;
	s7 =	sshll.u32 s1, $0x1  }
0x7: {  	s13 =	simm.s32 $0x0;
	s4 =	simm.s32 $0x0;
	s7 =	sor.u32 s6, s7  }
0x8: {  	s6 =	ssub.s32 $0x2, s6;
	[smem:$0x7FF] =	sst s4;
	s8 =	sshll.u32 s7, $0x4  }
0x9: {  	s9 =	sshrl.u32 s6, $0x1;
	_ =	strace $0x80000047;
	s8 =	sadd.s32 s8, s5  }
0xa: {  	s9 =	ssub.s32 s6, s9;
	s5 =	sshll.u32 s7, $0x5;
	s6 =	sadd.s32 $0x600, s8  }
0xb: {  	v0 =	vimm.s32 $0x0;
	s7 =	sadd.s32 $0x800, s8;
	s8 =	smax.u32 s9, $0x1;
	s9 =	simm.s32 $0x1  }
.LBB2_1:
0xc: {  	[tilespmem:s4], [sflag:$0x1] =	stream.linear.gather [hbm4b:s2+s4], $0x1000, $0x38;
	[tilespmem:$0x2100] =	vst v63  }
0xd: {  	_ =	swait.ge [sflag:s9], $0x1000  }
0xe: {  	[sflag:s9] =	ssyncset.done $0x0  }
0xf: {  	[sflag:s9] =	ssyncadd.s32 $0xFFFFF000  }
0x10: {  	[tilespmem:s10], [sflag:$0x1] =	stream.linear.gather [hbm4b:s3+s4], $0x1000, $0x38;
	[tilespmem:$0x2100] =	vst v63  }
0x11: {  	_ =	swait.ge [sflag:s9], $0x1000  }
0x12: {  	[sflag:s9] =	ssyncset.done $0x0  }
0x13: {  	p1 =	por $0x1, $0x1;
	v1 =	vimm.f32 $0.0e+00;
	v2 =	vimm.f32 $0.0e+00;
	s14 =	simm.s32 $0x0;
	[sflag:s9] =	ssyncadd.s32 $0xFFFFF000  }
.LBB2_2:
0x14: {  	s14 =	sor.u32 s5, s14  }
0x15: {  	v6 =	vld [tilespmem:s14+$0x0];
	_ =	sdelay $0x2  }
0x16: {  	v11 =	vimm.s32 $0x0;
	v12 =	vimm.f32 $0.0e+00;
	v9 =	vimm.f32 $0.0e+00  }
0x17: {  	v5 =	vimm.f32 $0.0e+00;
	v7 =	vimm.f32 $0.0e+00;
	v21 =	vimm.f32 $0.0e+00;
	v3 =	vld [tilespmem:s14+$0x1000]  }
0x18: {  	v22 =	vimm.f32 $0.0e+00;
	v23 =	vimm.f32 $0.0e+00;
	v28 =	vbroadcast v6, $0x0  }
0x19: {  	v19 =	vimm.s32 $0x0;
	v26 =	vbroadcast v6, $0x1;
	v27 =	vbroadcast v6, $0x2  }
0x1a: {  	s31 =	simm.s32 $0x0;
	v18 =	vimm.s32 $0x0;
	v17 =	vbroadcast v6, $0x3;
	v20 =	vbroadcast v6, $0x4  }
0x1b: {  	v16 =	vimm.s32 $0x0;
	v4 =	vld [tilespmem:s31+$0x0];
	v24 =	vbroadcast v6, $0x5;
	v25 =	vbroadcast v6, $0x6  }
0x1c: {  	v14 =	vimm.s32 $0x0;
	v37 =	vld [tilespmem:s31+$0x1000];
	v15 =	vbroadcast v6, $0x7;
	v32 =	vbroadcast v3, $0x0  }
0x1d: {  	v13 =	vimm.s32 $0x0;
	v35 =	vbroadcast v3, $0x1;
	v36 =	vbroadcast v3, $0x2  }
0x1e: {  	v10 =	vimm.s32 $0x0;
	v33 =	vbroadcast v3, $0x3;
	v34 =	vbroadcast v3, $0x4  }
0x1f: {  	v8 =	vimm.s32 $0x0;
	v31 =	vbroadcast v3, $0x5;
	v30 =	vbroadcast v3, $0x6  }
0x20: {  	v29 =	vbroadcast v3, $0x7;
	v38 =	vsub.f32 $1.000000000e+00, v4;
	v4 =	vimm.f32 $0.0e+00  }
0x21: {  	p0 =	por p1, p1;
	s14 =	simm.s32 $0x40;
	vm0 =	vgt.s32 v37, v32;
	vm1 =	vgt.s32 v37, v35;
	vm2 =	vgt.s32 v37, v36  }
.LBB2_3:
0x22: {  	p1 =	sne.s32 s14, $0x3FC0;
	v39 =	vadd.f32 v38, v28;
	vm3 =	vgt.s32 v37, v33;
	vm4 =	vgt.s32 v37, v34  }
0x23: {  	v40 =	vadd.f32 v38, v26;
	v41 =	vadd.f32 v38, v27;
	vm5 =	vgt.s32 v37, v31  }
0x24: {  	v42 =	vadd.f32 v38, v17;
	v43 =	vadd.f32 v38, v20;
	vm6 =	vgt.s32 v37, v30  }
0x25: {  	v44 =	vadd.f32 v38, v24;
	v45 =	vadd.f32 v38, v25;
	vm7 =	vgt.s32 v37, v29  }
0x26: {  	v38 =	vadd.f32 v38, v15;
	v37 =	vmax.f32 v39, $0.0e+00;
	v39 =	vmax.f32 v40, $0.0e+00  }
0x27: {  	v40 =	vmax.f32 v41, $0.0e+00;
	v41 =	vmax.f32 v42, $0.0e+00;
	v42 =	vmax.f32 v43, $0.0e+00  }
0x28: {  	v43 =	vmax.f32 v44, $0.0e+00;
	v37 =	vmul.f32 v37, v37;
	v39 =	vmul.f32 v39, v39  }
0x29: {  	v44 =	vmax.f32 v45, $0.0e+00;
	v40 =	vmul.f32 v40, v40;
	v41 =	vmul.f32 v41, v41  }
0x2a: {  	v38 =	vmax.f32 v38, $0.0e+00;
	v42 =	vmul.f32 v42, v42;
	v43 =	vmul.f32 v43, v43  }
0x2b: {  	v44 =	vmul.f32 v44, v44;
	v37 =	vadd.f32 v37, v12;
	v39 =	vadd.f32 v39, v9  }
0x2c: {  	v38 =	vmul.f32 v38, v38;
	v40 =	vadd.f32 v40, v4;
	v41 =	vadd.f32 v41, v5  }
0x2d: {  	v12 =	vsel vm0, v37, v12;
	v37 =	vadd.f32 v42, v7;
	v42 =	vadd.f32 v43, v21  }
0x2e: {  	v38 =	vadd.f32 v38, v23;
	v9 =	vsel vm1, v39, v9;
	v39 =	vadd.f32 v44, v22  }
0x2f: {  	v4 =	vsel vm2, v40, v4;
	v5 =	vsel vm3, v41, v5;
	v7 =	vsel vm4, v37, v7  }
0x30: {  	s15 =	sshra.s32 s14, $0x2;
	v23 =	vsel vm7, v38, v23;
	v21 =	vsel vm5, v42, v21;
	v22 =	vsel vm6, v39, v22  }
0x31: {  	v40 =	vsel vm1, $0x1, v0;
	v41 =	vsel vm2, $0x1, v0;
	v39 =	vsel vm0, $0x1, v0;
	v38 =	vld [tilespmem:s15+$0x0]  }
0x32: {  	v43 =	vsel vm4, $0x1, v0;
	v44 =	vsel vm5, $0x1, v0;
	v42 =	vsel vm3, $0x1, v0;
	v37 =	vld [tilespmem:s15+$0x1000]  }
.Ltmp0:
0x33: {  	v45 =	vsel vm7, $0x1, v0;
	v11 =	vadd.s32 v39, v11;
	v39 =	vsel vm6, $0x1, v0;
	(pc) =	sbr.rel @p1 .LBB2_3-.Ltmp0, $4  }
0x34: {  	v19 =	vadd.s32 v40, v19;
	v18 =	vadd.s32 v41, v18;
	v16 =	vadd.s32 v42, v16  }
0x35: {  	v14 =	vadd.s32 v43, v14;
	v13 =	vadd.s32 v44, v13;
	v10 =	vadd.s32 v39, v10  }
0x36: {  	v8 =	vadd.s32 v45, v8;
	v38 =	vsub.f32 $1.000000000e+00, v38  }
0x37: {  	s14 =	sadd.s32 $0x40, s14;
	vm0 =	vgt.s32 v37, v32;
	vm1 =	vgt.s32 v37, v35;
	vm2 =	vgt.s32 v37, v36  }
0x38: {  	v28 =	vadd.f32 v38, v28;
	vm3 =	vgt.s32 v37, v33;
	vm4 =	vgt.s32 v37, v34  }
0x39: {  	v26 =	vadd.f32 v38, v26;
	v27 =	vadd.f32 v38, v27;
	vm5 =	vgt.s32 v37, v31  }
0x3a: {  	v17 =	vadd.f32 v38, v17;
	v20 =	vadd.f32 v38, v20;
	vm6 =	vgt.s32 v37, v30  }
0x3b: {  	v24 =	vadd.f32 v38, v24;
	v25 =	vadd.f32 v38, v25;
	v40 =	vbroadcast v6, $0x8  }
0x3c: {  	vm7 =	vgt.s32 v37, v29;
	v35 =	vbroadcast v6, $0x9;
	v36 =	vbroadcast v6, $0xA  }
0x3d: {  	v15 =	vadd.f32 v38, v15;
	v37 =	vbroadcast v6, $0xB;
	v38 =	vbroadcast v6, $0xC  }
0x3e: {  	v41 =	vbroadcast v6, $0xD;
	v42 =	vbroadcast v6, $0xE  }
0x3f: {  	v39 =	vbroadcast v6, $0xF;
	v44 =	vbroadcast v3, $0x8  }
0x40: {  	v47 =	vbroadcast v3, $0x9;
	v50 =	vbroadcast v3, $0xA  }
0x41: {  	v48 =	vbroadcast v3, $0xB;
	v49 =	vbroadcast v3, $0xC  }
0x42: {  	v46 =	vbroadcast v3, $0xD;
	v45 =	vbroadcast v3, $0xE  }
0x43: {  	v43 =	vbroadcast v3, $0xF;
	v30 =	vimm.f32 $0.0e+00;
	v6 =	vimm.f32 $0.0e+00  }
0x44: {  	v28 =	vmax.f32 v28, $0.0e+00;
	v26 =	vmax.f32 v26, $0.0e+00;
	v27 =	vmax.f32 v27, $0.0e+00  }
0x45: {  	v17 =	vmax.f32 v17, $0.0e+00;
	v20 =	vmax.f32 v20, $0.0e+00;
	v24 =	vmax.f32 v24, $0.0e+00  }
0x46: {  	v25 =	vmax.f32 v25, $0.0e+00;
	v28 =	vmul.f32 v28, v28;
	v26 =	vmul.f32 v26, v26  }
0x47: {  	v15 =	vmax.f32 v15, $0.0e+00;
	v27 =	vmul.f32 v27, v27;
	v17 =	vmul.f32 v17, v17  }
0x48: {  	v29 =	vmul.f32 v20, v20;
	v24 =	vmul.f32 v24, v24;
	v20 =	vadd.f32 v28, v12  }
0x49: {  	v25 =	vmul.f32 v25, v25;
	v26 =	vadd.f32 v26, v9;
	v27 =	vadd.f32 v27, v4  }
0x4a: {  	s14 =	simm.s32 $0x0;
	v15 =	vmul.f32 v15, v15;
	v28 =	vadd.f32 v17, v5;
	v29 =	vadd.f32 v29, v7  }
0x4b: {  	v3 =	vimm.f32 $0.0e+00;
	v51 =	vld [tilespmem:s14+$0x1000];
	v24 =	vadd.f32 v24, v21;
	v25 =	vadd.f32 v25, v22  }
0x4c: {  	v20 =	vsel vm0, v20, v12;
	v17 =	vsel vm1, v26, v9;
	v26 =	vadd.f32 v15, v23  }
0x4d: {  	v15 =	vsel vm2, v27, v4;
	v12 =	vsel vm3, v28, v5;
	v9 =	vsel vm4, v29, v7  }
0x4e: {  	v7 =	vsel vm5, v24, v21;
	v5 =	vsel vm6, v25, v22;
	v21 =	vsel vm0, $0x1, v0  }
0x4f: {  	v22 =	vsel vm1, $0x1, v0;
	v24 =	vsel vm3, $0x1, v0;
	v25 =	vsel vm4, $0x1, v0  }
0x50: {  	vm1 =	vgt.s32 v51, v47;
	vm0 =	vgt.s32 v51, v50;
	v29 =	vimm.s32 $0x0  }
0x51: {  	v34 =	vadd.s32 v21, v11;
	v11 =	vsel vm6, $0x1, v0;
	v21 =	vsel vm7, $0x1, v0  }
0x52: {  	v33 =	vadd.s32 v22, v19;
	v31 =	vadd.s32 v24, v16;
	v28 =	vadd.s32 v25, v14  }
0x53: {  	v16 =	vld [tilespmem:s14+$0x0];
	v25 =	vimm.f32 $0.0e+00;
	v14 =	vimm.f32 $0.0e+00;
	v19 =	vimm.s32 $0x0  }
0x54: {  	v4 =	vsel vm7, v26, v23;
	v23 =	vsel vm2, $0x1, v0;
	v26 =	vsel vm5, $0x1, v0  }
0x55: {  	v24 =	vadd.s32 v11, v10;
	v22 =	vadd.s32 v21, v8;
	vm2 =	vgt.s32 v51, v44  }
0x56: {  	v11 =	vimm.f32 $0.0e+00;
	v8 =	vimm.f32 $0.0e+00;
	v21 =	vimm.s32 $0x0  }
0x57: {  	v10 =	vimm.s32 $0x0;
	v32 =	vadd.s32 v23, v18;
	v27 =	vadd.s32 v26, v13  }
0x58: {  	v23 =	vimm.s32 $0x0;
	v18 =	vimm.f32 $0.0e+00;
	v52 =	vsub.f32 $1.000000000e+00, v16  }
0x59: {  	s14 =	simm.s32 $0x40;
	v26 =	vimm.s32 $0x0;
	v13 =	vimm.s32 $0x0;
	v16 =	vimm.s32 $0x0  }
.LBB2_5:
0x5a: {  	p1 =	sne.s32 s14, $0x3FC0;
	v53 =	vadd.f32 v52, v40;
	vm3 =	vgt.s32 v51, v48;
	vm4 =	vgt.s32 v51, v49  }
0x5b: {  	v54 =	vadd.f32 v52, v35;
	v55 =	vadd.f32 v52, v36;
	vm5 =	vgt.s32 v51, v46  }
0x5c: {  	v56 =	vadd.f32 v52, v37;
	v57 =	vadd.f32 v52, v38;
	vm6 =	vgt.s32 v51, v45  }
0x5d: {  	v58 =	vadd.f32 v52, v41;
	v59 =	vadd.f32 v52, v42;
	vm7 =	vgt.s32 v51, v43  }
0x5e: {  	v52 =	vadd.f32 v52, v39;
	v51 =	vmax.f32 v53, $0.0e+00;
	v53 =	vmax.f32 v54, $0.0e+00  }
0x5f: {  	v54 =	vmax.f32 v55, $0.0e+00;
	v55 =	vmax.f32 v56, $0.0e+00;
	v56 =	vmax.f32 v57, $0.0e+00  }
0x60: {  	v57 =	vmax.f32 v58, $0.0e+00;
	v51 =	vmul.f32 v51, v51;
	v53 =	vmul.f32 v53, v53  }
0x61: {  	v58 =	vmax.f32 v59, $0.0e+00;
	v54 =	vmul.f32 v54, v54;
	v55 =	vmul.f32 v55, v55  }
0x62: {  	v52 =	vmax.f32 v52, $0.0e+00;
	v56 =	vmul.f32 v56, v56;
	v57 =	vmul.f32 v57, v57  }
0x63: {  	v58 =	vmul.f32 v58, v58;
	v51 =	vadd.f32 v51, v30;
	v53 =	vadd.f32 v53, v25  }
0x64: {  	v52 =	vmul.f32 v52, v52;
	v54 =	vadd.f32 v54, v18;
	v55 =	vadd.f32 v55, v14  }
0x65: {  	v30 =	vsel vm2, v51, v30;
	v51 =	vadd.f32 v56, v11;
	v56 =	vadd.f32 v57, v8  }
0x66: {  	v52 =	vadd.f32 v52, v3;
	v25 =	vsel vm1, v53, v25;
	v53 =	vadd.f32 v58, v6  }
0x67: {  	v18 =	vsel vm0, v54, v18;
	v14 =	vsel vm3, v55, v14;
	v11 =	vsel vm4, v51, v11  }
0x68: {  	s15 =	sshra.s32 s14, $0x2;
	v3 =	vsel vm7, v52, v3;
	v8 =	vsel vm5, v56, v8;
	v6 =	vsel vm6, v53, v6  }
0x69: {  	v54 =	vsel vm1, $0x1, v0;
	v55 =	vsel vm0, $0x1, v0;
	v53 =	vsel vm2, $0x1, v0;
	v52 =	vld [tilespmem:s15+$0x0]  }
0x6a: {  	v57 =	vsel vm4, $0x1, v0;
	v58 =	vsel vm5, $0x1, v0;
	v56 =	vsel vm3, $0x1, v0;
	v51 =	vld [tilespmem:s15+$0x1000]  }
.Ltmp1:
0x6b: {  	v59 =	vsel vm7, $0x1, v0;
	v23 =	vadd.s32 v53, v23;
	v53 =	vsel vm6, $0x1, v0;
	(pc) =	sbr.rel @p1 .LBB2_5-.Ltmp1, $4  }
0x6c: {  	v29 =	vadd.s32 v54, v29;
	v26 =	vadd.s32 v55, v26;
	v21 =	vadd.s32 v56, v21  }
0x6d: {  	v19 =	vadd.s32 v57, v19;
	v16 =	vadd.s32 v58, v16;
	v13 =	vadd.s32 v53, v13  }
0x6e: {  	v10 =	vadd.s32 v59, v10;
	v52 =	vsub.f32 $1.000000000e+00, v52  }
0x6f: {  	s14 =	sadd.s32 $0x40, s14;
	vm2 =	vgt.s32 v51, v44;
	vm1 =	vgt.s32 v51, v47;
	vm0 =	vgt.s32 v51, v50  }
0x70: {  	v40 =	vadd.f32 v52, v40  }
0x71: {  	vm7 =	vgt.s32 v51, v48;
	vm6 =	vgt.s32 v51, v49;
	v35 =	vadd.f32 v52, v35  }
0x72: {  	v36 =	vadd.f32 v52, v36;
	vm5 =	vgt.s32 v51, v46;
	v37 =	vadd.f32 v52, v37  }
0x73: {  	v38 =	vadd.f32 v52, v38;
	vm4 =	vgt.s32 v51, v45;
	v41 =	vadd.f32 v52, v41  }
0x74: {  	v42 =	vadd.f32 v52, v42;
	v34 =	vcvt.s32.f32 v34;
	v44 =	vcvt.s32.f32 v33  }
0x75: {  	v39 =	vadd.f32 v52, v39;
	v48 =	vcvt.s32.f32 v32;
	v52 =	vcvt.s32.f32 v31  }
0x76: {  	vm3 =	vgt.s32 v51, v43;
	v56 =	vcvt.s32.f32 v28;
	v60 =	vcvt.s32.f32 v27  }
0x77: {  	v32 =	vcvt.s32.f32 v24;
	v2 =	vadd.f32 v20, v2;
	v1 =	vadd.f32 v34, v1  }
0x78: {  	v40 =	vmax.f32 v40, $0.0e+00;
	v35 =	vmax.f32 v35, $0.0e+00;
	v36 =	vmax.f32 v36, $0.0e+00  }
0x79: {  	v37 =	vmax.f32 v37, $0.0e+00;
	v2 =	vadd.f32 v17, v2;
	v1 =	vadd.f32 v44, v1  }
0x7a: {  	v38 =	vmax.f32 v38, $0.0e+00;
	v47 =	vmax.f32 v41, $0.0e+00;
	v51 =	vmax.f32 v42, $0.0e+00  }
0x7b: {  	v55 =	vmax.f32 v39, $0.0e+00;
	v2 =	vadd.f32 v15, v2;
	v1 =	vadd.f32 v48, v1  }
0x7c: {  	v39 =	vsel vm1, $0x1, v0;
	v45 =	vmul.f32 v40, v40;
	v46 =	vmul.f32 v35, v35  }
0x7d: {  	v49 =	vmul.f32 v36, v36;
	v2 =	vadd.f32 v12, v2;
	v1 =	vadd.f32 v52, v1  }
0x7e: {  	v42 =	vsel vm0, $0x1, v0;
	v50 =	vmul.f32 v37, v37;
	v53 =	vmul.f32 v38, v38  }
0x7f: {  	v54 =	vmul.f32 v47, v47;
	v2 =	vadd.f32 v9, v2;
	v1 =	vadd.f32 v56, v1  }
0x80: {  	v59 =	vmul.f32 v51, v51;
	v63 =	vmul.f32 v55, v55;
	v36 =	vsel vm2, $0x1, v0  }
0x81: {  	v37 =	vcvt.s32.f32 v22;
	v2 =	vadd.f32 v7, v2;
	v1 =	vadd.f32 v60, v1  }
0x82: {  	v22 =	vadd.s32 v39, v29;
	v57 =	vadd.f32 v45, v30;
	v58 =	vadd.f32 v46, v25  }
0x83: {  	v55 =	vsel vm4, $0x1, v0;
	v2 =	vadd.f32 v5, v2;
	v1 =	vadd.f32 v32, v1  }
0x84: {  	v17 =	vadd.s32 v36, v23;
	v61 =	vadd.f32 v49, v18;
	v62 =	vadd.f32 v50, v14  }
0x85: {  	v40 =	vcvt.s32.f32 v17;
	v2 =	vadd.f32 v4, v2;
	v1 =	vadd.f32 v37, v1  }
0x86: {  	v35 =	vadd.f32 v53, v11;
	v38 =	vadd.f32 v54, v8;
	v34 =	vsel vm2, v57, v30  }
0x87: {  	v43 =	vcvt.s32.f32 v22;
	v2 =	vadd.f32 v34, v2;
	v1 =	vadd.f32 v40, v1  }
0x88: {  	v45 =	vsel vm7, $0x1, v0;
	v17 =	vadd.s32 v42, v26;
	v41 =	vsel vm1, v58, v25  }
0x89: {  	v46 =	vcvt.s32.f32 v17;
	v2 =	vadd.f32 v41, v2;
	v1 =	vadd.f32 v43, v1  }
0x8a: {  	v48 =	vsel vm6, $0x1, v0;
	v49 =	vadd.s32 v45, v21;
	v47 =	vsel vm0, v61, v18  }
0x8b: {  	v50 =	vcvt.s32.f32 v49;
	v2 =	vadd.f32 v47, v2;
	v1 =	vadd.f32 v46, v1  }
0x8c: {  	v51 =	vsel vm7, v62, v14;
	v12 =	vadd.s32 v48, v19;
	v52 =	vsel vm5, $0x1, v0  }
0x8d: {  	v53 =	vcvt.s32.f32 v12;
	v2 =	vadd.f32 v51, v2;
	v1 =	vadd.f32 v50, v1  }
0x8e: {  	v44 =	vadd.f32 v59, v6;
	v54 =	vsel vm6, v35, v11;
	v56 =	vadd.s32 v52, v16  }
0x8f: {  	v57 =	vcvt.s32.f32 v56;
	v2 =	vadd.f32 v54, v2;
	v1 =	vadd.f32 v53, v1  }
0x90: {  	v59 =	vsel vm3, $0x1, v0;
	v58 =	vsel vm5, v38, v8;
	v60 =	vadd.s32 v55, v13  }
.Ltmp2:
0x91: {  	v61 =	vcvt.s32.f32 v60;
	v2 =	vadd.f32 v58, v2;
	v1 =	vadd.f32 v57, v1;
	(pc) =	sbr.rel @p0 .LBB2_2-.Ltmp2, $4  }
0x92: {  	v62 =	vadd.f32 v63, v3;
	v6 =	vsel vm4, v44, v6;
	v7 =	vadd.s32 v59, v10  }
0x93: {  	v63 =	vcvt.s32.f32 v7;
	v2 =	vadd.f32 v6, v2;
	v1 =	vadd.f32 v61, v1  }
0x94: {  	v3 =	vsel vm3, v62, v3  }
0x95: {  	s14 =	simm.s32 $0x10;
	p1 =	por $0x0, $0x0;
	v2 =	vadd.f32 v3, v2;
	v1 =	vadd.f32 v63, v1  }
0x96: {  	_ = 	snop  }
0x97: {  	[tilespmem:$0x2000] =	vst v2  }
0x98: {  	[tilespmem:$0x2080] =	vst v1  }
0x99: {  	[hbm4b:s6+s4] =	stream.linear.scatter [tilespmem:s11], [sflag:$0x1], $0x80, $0x38;
	[tilespmem:$0x2100] =	vst v63  }
0x9a: {  	s13 =	sadd.s32 $0x1, s13;
	_ =	swait.ge [sflag:s9], $0x80  }
0x9b: {  	p0 =	sne.s32 s13, s8;
	[sflag:s9] =	ssyncset.done $0x0  }
.Ltmp3:
0x9c: {  	[sflag:s9] =	ssyncadd.s32 $0xFFFFFF80;
	(pc) =	sbr.rel @p0 .LBB2_1-.Ltmp3, $4  }
0x9d: {  	[hbm4b:s7+s4] =	stream.linear.scatter [tilespmem:s12], [sflag:$0x1], $0x80, $0x38;
	[tilespmem:$0x2100] =	vst v63  }
0x9e: {  	_ =	swait.ge [sflag:s9], $0x80  }
0x9f: {  	[sflag:s9] =	ssyncset.done $0x0  }
0xa0: {  	[sflag:s9] =	ssyncadd.s32 $0xFFFFFF80  }
0xa1: {  	_ =	sfence.sel $0x180000  }
0xa2: {  	[bflag:$0x0] =	sbarrier.arrive $0xFFFF  }
0xa3: {  	p0 =	sne.s32 s1, $0x0;
	_ =	strace $0x90000047  }
0xa4: {  	s0 =	sadd.s32 @!p0 $0x100000, s0;
	[bflag:$0x2] =	sbarrier.arrive $0xFFFF  }
0xa5: {  	[sflag:s0] =	ssyncadd.tile.s32 @!p0 $0x1;
	_ =	shalt  }
.Lfunc_end2:
_tile_overlayer_lowered:
.L_overlay_start_2:
0xa6: {  	(tag) =	ssettag $0x2  }
0xa7: {  	s0 =	rddreg [dreg:$0x0];
	s2 =	stileid.u32  }
0xa8: {  	s1 =	rddreg [dreg:$0x1];
	p0 =	sne.s32 s2, $0x0  }
0xa9: {  	s3 =	rddreg [dreg:$0x2];
	[bflag:$0x3] =	sbarrier.arrive $0xFFFF;
	s2 =	simm.s32 @!p0 $0x1C01  }
0xaa: {  	[timem:s3], [sflag:s2] =	dma.local @!p0 [hbm:s0], s1  }
0xab: {  	s0 =	simm.s32 @!p0 $0x1  }
0xac: {  	_ =	swait.ge @!p0 [sflag:s0], s1  }
0xad: {  	s1 =	ssub.s32 @!p0 $0x0, s1;
	[sflag:s0] =	ssyncset.done @!p0 $0x0  }
0xae: {  	[sflag:s0] =	ssyncadd.s32 @!p0 s1  }
0xaf: {  	[bflag:$0x3] =	sbarrier.arrive $0xFFFF  }
0xb0: {  	_ =	shalt  }

</sc_bundles>
